<compile_context>
chip_gen: v7x
topology: tpu7x:2x2x1
jax: 0.10.2.dev20260603
libtpu: 0.0.44.dev20260713+nightly
codegen_flags: <defaults>
</compile_context>

<pallas_src>
import dataclasses
import functools

import jax
import jax.numpy as jnp
from jax import lax
from jax.experimental import pallas as pl
from jax.experimental.pallas import tpu as pltpu
from jax.experimental.pallas import tpu_sc as plsc

N = 32768
NSEG = 16
CAP = 4096
NB = 1024
LN = 16
EPS = 1e-12

LOG2_POLY = (0.043928627847900574, -0.18983244652658576, 0.4115614823104106,
             -0.7072534335743472, 1.441592077206549, 1.4390929995776245e-05)
LN2 = 0.6931471805599453


def _ln(y):
  a0, a1, a2, a3, a4, a5 = (jnp.float32(co) for co in LOG2_POLY)
  bits = lax.bitcast_convert_type(y, jnp.int32)
  e = lax.shift_right_logical(bits, jnp.int32(23)) - jnp.int32(127)
  mbits = (bits & jnp.int32(0x7FFFFF)) | jnp.int32(0x3F800000)
  r = lax.bitcast_convert_type(mbits, jnp.float32) - 1.0
  r2 = r * r
  p = ((a0 * r + a1) * r2 + (a2 * r + a3)) * r2 + (a4 * r + a5)
  return (e.astype(jnp.float32) + p) * jnp.float32(LN2)


def _sc_compiler_params():
  cp = pltpu.CompilerParams()
  if "needs_layout_passes" in pltpu.CompilerParams.__dataclass_fields__:
    cp = dataclasses.replace(cp, needs_layout_passes=False)
  return cp


_sc_mesh = plsc.VectorSubcoreMesh(
    core_axis_name="c", subcore_axis_name="s", num_cores=1)


@functools.partial(
    pl.kernel,
    out_type=jax.ShapeDtypeStruct((LN,), jnp.float32),
    mesh=_sc_mesh,
    scratch_types=[
        pltpu.VMEM((CAP,), jnp.int32),
        pltpu.VMEM((CAP,), jnp.int32),
        pltpu.VMEM((CAP,), jnp.float32),
        pltpu.VMEM((CAP,), jnp.float32),
        pltpu.VMEM((CAP,), jnp.int32),
        pltpu.VMEM((NB,), jnp.int32),
        pltpu.VMEM((LN,), jnp.int32),
        pltpu.VMEM((LN * LN,), jnp.int32),
        pltpu.VMEM((LN,), jnp.float32),
        pltpu.VMEM((LN * LN,), jnp.float32),
        pltpu.VMEM_SHARED((LN * LN,), jnp.int32),
        pltpu.VMEM_SHARED((LN * LN,), jnp.float32),
        pltpu.SemaphoreType.DMA,
    ],
    compiler_params=_sc_compiler_params(),
)
def _sc_loss(inp_hbm, tgt_hbm, bat_hbm, out_hbm,
             key_a, idx0, val_a, twin, bwin,
             bins0, hrow, hmat, prow, pmat,
             sh_i, sh_f, sem):
  c = lax.axis_index("c")
  s = lax.axis_index("s")

  @pl.when(c == 0)
  def _worker():
    li = lax.iota(jnp.int32, 16)

    ch = N // LN
    pltpu.sync_copy(bat_hbm.at[pl.ds(s * ch, ch)], bwin.at[pl.ds(0, ch)])
    hrow[...] = jnp.zeros((LN,), jnp.int32)

    @plsc.parallel_loop(0, ch // (2 * LN), unroll=2)
    def _seg_hist(i):
      for u in range(2):
        d = bwin[pl.ds(i * 2 * LN + u * LN, LN)]
        cnt, lastm = plsc.scan_count(d)
        plsc.addupdate_scatter(hrow, [d], cnt, mask=lastm)

    pltpu.sync_copy(hrow, sh_i.at[pl.ds(pl.multiple_of(s * LN, 8), LN)])
    plsc.subcore_barrier()
    pltpu.sync_copy(sh_i, hmat)
    counts_v = jnp.zeros((LN,), jnp.int32)
    for r in range(LN):
      counts_v = counts_v + hmat[pl.ds(r * LN, LN)]
    starts_v = plsc.cumsum(counts_v) - counts_v
    my_start = jnp.sum(jnp.where(li == s, starts_v, 0))
    my_cnt = jnp.sum(jnp.where(li == s, counts_v, 0))
    seg_end = my_start + my_cnt
    base = pl.multiple_of(
        jnp.minimum(my_start & jnp.int32(~7), jnp.int32(N - CAP)), 8)
    o_end = seg_end - base
    nv2 = (o_end + 2 * LN - 1) >> 5

    cp1 = pltpu.async_copy(tgt_hbm.at[pl.ds(base, CAP)], twin, sem)
    cp2 = pltpu.async_copy(inp_hbm.at[pl.ds(base, CAP)], val_a, sem)
    cp3 = pltpu.async_copy(bat_hbm.at[pl.ds(base, CAP)], bwin, sem)

    @plsc.parallel_loop(0, NB // LN)
    def _zero(j):
      bins0[pl.ds(j * LN, LN)] = jnp.zeros((LN,), jnp.int32)

    cp1.wait()
    cp2.wait()
    cp3.wait()

    def _mask_hist(i, carry):
      sum_inp, sum_exp = carry
      for u in range(2):
        sl = pl.ds(i * 2 * LN + u * LN, LN)
        mine = bwin[sl] == s
        tb = lax.bitcast_convert_type(twin[sl], jnp.int32)
        k = jnp.where(
            mine,
            lax.shift_right_logical(jnp.int32(0x3F7FFFFF) - tb, jnp.int32(20)),
            jnp.int32(NB - 1))
        key_a[sl] = k
        x = val_a[sl]
        sum_inp = sum_inp + jnp.sum(jnp.where(mine, x, 0.0))
        e = jnp.where(mine, jnp.exp(x), 0.0)
        val_a[sl] = e
        sum_exp = sum_exp + jnp.sum(e)
        cnt, lastm = plsc.scan_count(k)
        plsc.addupdate_scatter(bins0, [k], cnt, mask=lastm)
      return sum_inp, sum_exp

    sum_inp, sum_exp = plsc.parallel_loop(
        0, nv2, unroll=2, carry=(jnp.float32(0.0), jnp.float32(0.0)))(_mask_hist)

    def _scan(j, carry):
      sl = pl.ds(j * LN, LN)
      v = bins0[sl]
      inc = plsc.cumsum(v)
      bins0[sl] = inc - v + carry - 1
      return carry + jnp.sum(v)

    plsc.parallel_loop(0, NB // LN, carry=jnp.int32(0))(_scan)

    @pl.loop(0, nv2)
    def _permute(i):
      for u in range(2):
        off = i * 2 * LN + u * LN
        d = key_a[pl.ds(off, LN)]
        cnt, lastm = plsc.scan_count(d)
        pos = plsc.load_gather(bins0, [d]) + cnt
        plsc.store_scatter(idx0, [pos], off + li)
        plsc.addupdate_scatter(bins0, [d], cnt, mask=lastm)

    zv = jnp.zeros((LN,), jnp.float32)

    def _suffix(i, carry):
      rem, acc0, acc1 = carry
      j0 = i * 2 * LN
      j1 = j0 + LN
      ids0 = idx0[pl.ds(j0, LN)]
      ids1 = idx0[pl.ds(j1, LN)]
      v0 = plsc.load_gather(val_a, [ids0])
      v1 = plsc.load_gather(val_a, [ids1])
      pref0 = plsc.cumsum(v0)
      pref1 = plsc.cumsum(v1)
      s0 = jnp.sum(v0)
      s1 = jnp.sum(v1)
      suf0 = jnp.maximum(rem - pref0 + v0, 0.0)
      suf1 = jnp.maximum((rem - s0) - pref1 + v1, 0.0)
      acc0 = acc0 + jnp.where(
          (j0 + li) < my_cnt, _ln(suf0 + jnp.float32(EPS)), 0.0)
      acc1 = acc1 + jnp.where(
          (j1 + li) < my_cnt, _ln(suf1 + jnp.float32(EPS)), 0.0)
      return rem - s0 - s1, acc0, acc1

    _, lacc0, lacc1 = plsc.parallel_loop(
        0, nv2, unroll=2, carry=(sum_exp, zv, zv))(_suffix)
    prow[...] = lacc0 + lacc1

    partial = jnp.sum(prow[...]) - sum_inp
    prow[...] = jnp.where(li == 0, partial, 0.0)
    pltpu.sync_copy(prow, sh_f.at[pl.ds(pl.multiple_of(s * LN, 8), LN)])
    plsc.subcore_barrier()

    @pl.when(s == 0)
    def _final():
      pltpu.sync_copy(sh_f, pmat)
      facc = jnp.zeros((LN,), jnp.float32)
      for r in range(LN):
        facc = facc + pmat[pl.ds(r * LN, LN)]
      total = jnp.sum(facc) * jnp.float32(1.0 / NSEG)
      prow[...] = jnp.where(li == 0, total, 0.0)
      pltpu.sync_copy(prow, out_hbm)


def kernel(input, target, batch):
  out = _sc_loss(input, target, batch.astype(jnp.int32))
  return out[0]

# --- scband reference (transcript-rebuilt; emitter-appended) ---
"""Pipeline reference for scband-listwise-loss-91173565759627 (READ-ONLY COPY).

The authoritative reference and input builder live on the scoring server;
editing this copy changes nothing except your own understanding.
"""

import jax, jax.numpy as jnp
import numpy as np

NUM_SEGMENTS = 16


def _scatter_randperm(target, batch, key):
    # random permutation within each segment: stable lexsort by (batch, noise)
    noise = jax.random.uniform(key, target.shape)
    perm = jnp.lexsort((noise, batch))
    return target[perm], perm


def _scatter_sort_desc(x, batch):
    # descending sort within each segment: lexsort by (batch, -x)
    sortarg = jnp.lexsort((-x, batch))
    return x[sortarg], sortarg


def _scatter_cumsum_inv(x, batch, num_segments):
    # reversed (suffix) cumulative sum within each segment
    seg_tot = jax.ops.segment_sum(x, batch, num_segments=num_segments)
    seg_cum = jnp.cumsum(seg_tot)
    offset = seg_cum[batch] - seg_tot[batch]  # sum of totals of previous segments
    c = jnp.cumsum(x)  # global inclusive prefix sum
    # suffix sum within segment = seg_total - (within-segment exclusive prefix)
    return offset + seg_tot[batch] - c + x


def setup_inputs(seed: int = 0) -> dict:
    key = jax.random.key(seed)
    k1, k2, k3 = jax.random.split(key, 3)
    N = 32768
    inp = jax.random.normal(k1, (N,), dtype=jnp.float32)
    target = jax.random.uniform(k2, (N,), dtype=jnp.float32)
    batch = jnp.sort(jax.random.randint(k3, (N,), 0, NUM_SEGMENTS))
    return {"input": inp, "target": target, "batch": batch}


def reference(input, target, batch):
    eps = 1e-12
    key = jax.random.key(42)
    # batch is sorted/contiguous, so any within-segment permutation leaves batch unchanged
    target_shuffle, randperm = _scatter_randperm(target, batch, key)
    input_shuffle = input[randperm]
    target_sorted, sortarg = _scatter_sort_desc(target_shuffle, batch)
    input_sorted = input_shuffle[sortarg]
    cumsum = _scatter_cumsum_inv(jnp.exp(input_sorted), batch, NUM_SEGMENTS)
    loss = jnp.log(cumsum + eps) - input_sorted
    loss = jax.ops.segment_sum(loss, batch, num_segments=NUM_SEGMENTS)
    return loss.mean()

if __name__ == "__main__":
    import jax
    _d = setup_inputs()
    print(jax.jit(kernel)(*tuple(_d.values())))

</pallas_src>

<mosaic_0001>
#map = affine_map<(d0, d1) -> (0)>
module attributes {stable_mosaic.version = 14 : i64} {
  func.func @_sc_loss(%arg0: i32, %arg1: i32, %arg2: memref<32768xf32, #tpu.memory_space<hbm>>, %arg3: memref<32768xf32, #tpu.memory_space<hbm>>, %arg4: memref<32768xi32, #tpu.memory_space<hbm>>, %arg5: memref<16xf32, #tpu.memory_space<hbm>>, %arg6: memref<4096xi32, #tpu.memory_space<vmem>>, %arg7: memref<4096xi32, #tpu.memory_space<vmem>>, %arg8: memref<4096xf32, #tpu.memory_space<vmem>>, %arg9: memref<4096xf32, #tpu.memory_space<vmem>>, %arg10: memref<4096xi32, #tpu.memory_space<vmem>>, %arg11: memref<1024xi32, #tpu.memory_space<vmem>>, %arg12: memref<16xi32, #tpu.memory_space<vmem>>, %arg13: memref<256xi32, #tpu.memory_space<vmem>>, %arg14: memref<16xf32, #tpu.memory_space<vmem>>, %arg15: memref<256xf32, #tpu.memory_space<vmem>>, %arg16: memref<256xi32, #tpu.memory_space<vmem_shared>>, %arg17: memref<256xf32, #tpu.memory_space<vmem_shared>>, %arg18: memref<!tpu.dma_semaphore, #tpu.memory_space<semaphore_mem>>) attributes {dimension_semantics = [#tpu.dimension_semantics<core_parallel>, #tpu.dimension_semantics<subcore_parallel>], iteration_bounds = array<i64: 1, 16>, scalar_prefetch = 0 : i64, scratch_operands = 13 : i64, tpu.core_type = #tpu.core_type<sc_vector_subcore>, window_params = [{transform_indices = #map}, {transform_indices = #map}, {transform_indices = #map}, {transform_indices = #map}]} {
    %eq3A = arith.constant 0 : i32
    %eq3A_0 = arith.cmpi eq, %arg0, %eq3A : i32
    %convert_element_type3A = arith.extui %eq3A_0 : i1 to i32
    %cond3A = arith.constant 0 : i32
    %cond3A_1 = arith.cmpi ne, %convert_element_type3A, %cond3A : i32
    scf.if %cond3A_1 {
      %iota3A = tpu.iota {dimensions = array<i32: 0>} : vector<16xi32>
      %mul3A = arith.constant 2048 : i32
      %mul3A_2 = arith.muli %arg1, %mul3A : i32
      "tpu.region"() ({
        %run_scoped3A = tpu.sem_alloc : memref<!tpu.dma_semaphore, #tpu.memory_space<semaphore_mem>>
        %dma_start3A_157 = arith.constant 0 : i32
        %dma_start3A_158 = tpu.memref_slice %arg10[%dma_start3A_157] : memref<4096xi32, #tpu.memory_space<vmem>> -> memref<2048xi32, #tpu.memory_space<vmem>>
        %dma_start3A_159 = tpu.memref_slice %arg4[%mul3A_2] : memref<32768xi32, #tpu.memory_space<hbm>> -> memref<2048xi32, #tpu.memory_space<hbm>>
        %dma_start3A_160 = arith.constant 0 : i32
        %dma_start3A_161 = tpu.memref_slice %arg10[%dma_start3A_160] : memref<4096xi32, #tpu.memory_space<vmem>> -> memref<2048xi32, #tpu.memory_space<vmem>>
        %dma_start3A_162 = tpu.memref_slice %arg4[%mul3A_2] : memref<32768xi32, #tpu.memory_space<hbm>> -> memref<2048xi32, #tpu.memory_space<hbm>>
        tpu.enqueue_dma source(%dma_start3A_162 : memref<2048xi32, #tpu.memory_space<hbm>>) target(%dma_start3A_161 : memref<2048xi32, #tpu.memory_space<vmem>>) target_semaphore(%run_scoped3A : memref<!tpu.dma_semaphore, #tpu.memory_space<semaphore_mem>>)
        %dma_wait3A_163 = arith.constant 0 : i32
        %dma_wait3A_164 = tpu.memref_slice %arg10[%dma_wait3A_163] : memref<4096xi32, #tpu.memory_space<vmem>> -> memref<2048xi32, #tpu.memory_space<vmem>>
        %dma_wait3A_165 = tpu.memref_slice %arg4[%mul3A_2] : memref<32768xi32, #tpu.memory_space<hbm>> -> memref<2048xi32, #tpu.memory_space<hbm>>
        %dma_wait3A_166 = arith.constant 0 : i32
        %dma_wait3A_167 = tpu.memref_slice %arg10[%dma_wait3A_166] : memref<4096xi32, #tpu.memory_space<vmem>> -> memref<2048xi32, #tpu.memory_space<vmem>>
        %dma_wait3A_168 = tpu.memref_slice %arg4[%mul3A_2] : memref<32768xi32, #tpu.memory_space<hbm>> -> memref<2048xi32, #tpu.memory_space<hbm>>
        tpu.wait_dma2 semaphore(%run_scoped3A : memref<!tpu.dma_semaphore, #tpu.memory_space<semaphore_mem>>) src(%dma_wait3A_168 : memref<2048xi32, #tpu.memory_space<hbm>>) dst(%dma_wait3A_167 : memref<2048xi32, #tpu.memory_space<vmem>>)
        tpu.yield
      }) : () -> ()
      %broadcast_in_dim3A = arith.constant 0 : i32
      %broadcast_in_dim3A_3 = vector.broadcast %broadcast_in_dim3A : i32 to vector<16xi32>
      %swap3A = arith.constant 0 : index
      %swap3A_4 = tpu.vector_load %arg12[%swap3A] {strides = array<i32>} : memref<16xi32, #tpu.memory_space<vmem>>, vector<16xi32>,
      tpu.vector_store %arg12[%swap3A], %broadcast_in_dim3A_3 {strides = array<i32>} : memref<16xi32, #tpu.memory_space<vmem>>, vector<16xi32>,
      %parallel_loop3A = arith.constant 0 : i32
      %parallel_loop3A_5 = arith.constant 64 : i32
      %parallel_loop3A_6 = arith.constant 1 : i32
      scf.for %parallel_loop3A_157 = %parallel_loop3A to %parallel_loop3A_5 step %parallel_loop3A_6  : i32 {
        %parallel_loop3A_158 = arith.constant 2 : i32
        %parallel_loop3A_159 = arith.muli %parallel_loop3A_157, %parallel_loop3A_158 : i32
        %parallel_loop3A_160 = arith.constant 16 : i32
        %parallel_loop3A_161 = arith.muli %parallel_loop3A_159, %parallel_loop3A_160 : i32
        %parallel_loop3A_162 = arith.constant 0 : i32
        %parallel_loop3A_163 = arith.addi %parallel_loop3A_161, %parallel_loop3A_162 : i32
        %parallel_loop3A_164 = arith.index_cast %parallel_loop3A_163 : i32 to index
        %parallel_loop3A_165 = tpu.vector_load %arg10[%parallel_loop3A_164] {strides = array<i32>} : memref<4096xi32, #tpu.memory_space<vmem>>, vector<16xi32>,
        %parallel_loop3A_166 = arith.constant true
        %parallel_loop3A_167 = vector.broadcast %parallel_loop3A_166 : i1 to vector<16xi1>
        %parallel_loop3A_168, %parallel_loop3A_169 = tpu.scan_count mask(%parallel_loop3A_167 : vector<16xi1>) value(%parallel_loop3A_165 : vector<16xi32>) : vector<16xi1>, vector<16xi32>
        tpu.vector_store_idx %arg12[%parallel_loop3A_165], %parallel_loop3A_169 masked %parallel_loop3A_168 {add = true} : memref<16xi32, #tpu.memory_space<vmem>>[vector<16xi32>], vector<16xi32>, vector<16xi1>
        %parallel_loop3A_170 = arith.constant 2 : i32
        %parallel_loop3A_171 = arith.muli %parallel_loop3A_157, %parallel_loop3A_170 : i32
        %parallel_loop3A_172 = arith.constant 16 : i32
        %parallel_loop3A_173 = arith.muli %parallel_loop3A_171, %parallel_loop3A_172 : i32
        %parallel_loop3A_174 = arith.constant 16 : i32
        %parallel_loop3A_175 = arith.addi %parallel_loop3A_173, %parallel_loop3A_174 : i32
        %parallel_loop3A_176 = arith.index_cast %parallel_loop3A_175 : i32 to index
        %parallel_loop3A_177 = tpu.vector_load %arg10[%parallel_loop3A_176] {strides = array<i32>} : memref<4096xi32, #tpu.memory_space<vmem>>, vector<16xi32>,
        %parallel_loop3A_178 = arith.constant true
        %parallel_loop3A_179 = vector.broadcast %parallel_loop3A_178 : i1 to vector<16xi1>
        %parallel_loop3A_180, %parallel_loop3A_181 = tpu.scan_count mask(%parallel_loop3A_179 : vector<16xi1>) value(%parallel_loop3A_177 : vector<16xi32>) : vector<16xi1>, vector<16xi32>
        tpu.vector_store_idx %arg12[%parallel_loop3A_177], %parallel_loop3A_181 masked %parallel_loop3A_180 {add = true} : memref<16xi32, #tpu.memory_space<vmem>>[vector<16xi32>], vector<16xi32>, vector<16xi1>
      } {sc.loop_unroll_factor = 2 : i64, sc.parallel_access}
      %mul3A_7 = arith.constant 16 : i32
      %mul3A_8 = arith.muli %arg1, %mul3A_7 : i32
      %multiple_of3A = tpu.assume_multiple %mul3A_8, 8 : i32
      "tpu.region"() ({
        %run_scoped3A = tpu.sem_alloc : memref<!tpu.dma_semaphore, #tpu.memory_space<semaphore_mem>>
        %dma_start3A_157 = tpu.memref_slice %arg16[%multiple_of3A] : memref<256xi32, #tpu.memory_space<vmem_shared>> -> memref<16xi32, #tpu.memory_space<vmem_shared>>
        %dma_start3A_158 = tpu.memref_slice %arg16[%multiple_of3A] : memref<256xi32, #tpu.memory_space<vmem_shared>> -> memref<16xi32, #tpu.memory_space<vmem_shared>>
        tpu.enqueue_dma source(%arg12 : memref<16xi32, #tpu.memory_space<vmem>>) target(%dma_start3A_158 : memref<16xi32, #tpu.memory_space<vmem_shared>>) target_semaphore(%run_scoped3A : memref<!tpu.dma_semaphore, #tpu.memory_space<semaphore_mem>>)
        %dma_wait3A_159 = tpu.memref_slice %arg16[%multiple_of3A] : memref<256xi32, #tpu.memory_space<vmem_shared>> -> memref<16xi32, #tpu.memory_space<vmem_shared>>
        %dma_wait3A_160 = tpu.memref_slice %arg16[%multiple_of3A] : memref<256xi32, #tpu.memory_space<vmem_shared>> -> memref<16xi32, #tpu.memory_space<vmem_shared>>
        tpu.wait_dma2 semaphore(%run_scoped3A : memref<!tpu.dma_semaphore, #tpu.memory_space<semaphore_mem>>) src(%arg12 : memref<16xi32, #tpu.memory_space<vmem>>) dst(%dma_wait3A_160 : memref<16xi32, #tpu.memory_space<vmem_shared>>)
        tpu.yield
      }) : () -> ()
      %barrier3A = arith.constant 0 : index
      tpu.barrier barrier_id(%barrier3A)
      "tpu.region"() ({
        %run_scoped3A = tpu.sem_alloc : memref<!tpu.dma_semaphore, #tpu.memory_space<semaphore_mem>>
        tpu.enqueue_dma source(%arg16 : memref<256xi32, #tpu.memory_space<vmem_shared>>) target(%arg13 : memref<256xi32, #tpu.memory_space<vmem>>) target_semaphore(%run_scoped3A : memref<!tpu.dma_semaphore, #tpu.memory_space<semaphore_mem>>)
        tpu.wait_dma2 semaphore(%run_scoped3A : memref<!tpu.dma_semaphore, #tpu.memory_space<semaphore_mem>>) src(%arg16 : memref<256xi32, #tpu.memory_space<vmem_shared>>) dst(%arg13 : memref<256xi32, #tpu.memory_space<vmem>>)
        tpu.yield
      }) : () -> ()
      %broadcast_in_dim3A_9 = arith.constant 0 : i32
      %broadcast_in_dim3A_10 = vector.broadcast %broadcast_in_dim3A_9 : i32 to vector<16xi32>
      %get3A = arith.constant 0 : index
      %get3A_11 = tpu.vector_load %arg13[%get3A] {strides = array<i32>} : memref<256xi32, #tpu.memory_space<vmem>>, vector<16xi32>,
      %add3A = arith.addi %broadcast_in_dim3A_10, %get3A_11 : vector<16xi32>
      %get3A_12 = arith.constant 16 : index
      %get3A_13 = tpu.vector_load %arg13[%get3A_12] {strides = array<i32>} : memref<256xi32, #tpu.memory_space<vmem>>, vector<16xi32>,
      %add3A_14 = arith.addi %add3A, %get3A_13 : vector<16xi32>
      %get3A_15 = arith.constant 32 : index
      %get3A_16 = tpu.vector_load %arg13[%get3A_15] {strides = array<i32>} : memref<256xi32, #tpu.memory_space<vmem>>, vector<16xi32>,
      %add3A_17 = arith.addi %add3A_14, %get3A_16 : vector<16xi32>
      %get3A_18 = arith.constant 48 : index
      %get3A_19 = tpu.vector_load %arg13[%get3A_18] {strides = array<i32>} : memref<256xi32, #tpu.memory_space<vmem>>, vector<16xi32>,
      %add3A_20 = arith.addi %add3A_17, %get3A_19 : vector<16xi32>
      %get3A_21 = arith.constant 64 : index
      %get3A_22 = tpu.vector_load %arg13[%get3A_21] {strides = array<i32>} : memref<256xi32, #tpu.memory_space<vmem>>, vector<16xi32>,
      %add3A_23 = arith.addi %add3A_20, %get3A_22 : vector<16xi32>
      %get3A_24 = arith.constant 80 : index
      %get3A_25 = tpu.vector_load %arg13[%get3A_24] {strides = array<i32>} : memref<256xi32, #tpu.memory_space<vmem>>, vector<16xi32>,
      %add3A_26 = arith.addi %add3A_23, %get3A_25 : vector<16xi32>
      %get3A_27 = arith.constant 96 : index
      %get3A_28 = tpu.vector_load %arg13[%get3A_27] {strides = array<i32>} : memref<256xi32, #tpu.memory_space<vmem>>, vector<16xi32>,
      %add3A_29 = arith.addi %add3A_26, %get3A_28 : vector<16xi32>
      %get3A_30 = arith.constant 112 : index
      %get3A_31 = tpu.vector_load %arg13[%get3A_30] {strides = array<i32>} : memref<256xi32, #tpu.memory_space<vmem>>, vector<16xi32>,
      %add3A_32 = arith.addi %add3A_29, %get3A_31 : vector<16xi32>
      %get3A_33 = arith.constant 128 : index
      %get3A_34 = tpu.vector_load %arg13[%get3A_33] {strides = array<i32>} : memref<256xi32, #tpu.memory_space<vmem>>, vector<16xi32>,
      %add3A_35 = arith.addi %add3A_32, %get3A_34 : vector<16xi32>
      %get3A_36 = arith.constant 144 : index
      %get3A_37 = tpu.vector_load %arg13[%get3A_36] {strides = array<i32>} : memref<256xi32, #tpu.memory_space<vmem>>, vector<16xi32>,
      %add3A_38 = arith.addi %add3A_35, %get3A_37 : vector<16xi32>
      %get3A_39 = arith.constant 160 : index
      %get3A_40 = tpu.vector_load %arg13[%get3A_39] {strides = array<i32>} : memref<256xi32, #tpu.memory_space<vmem>>, vector<16xi32>,
      %add3A_41 = arith.addi %add3A_38, %get3A_40 : vector<16xi32>
      %get3A_42 = arith.constant 176 : index
      %get3A_43 = tpu.vector_load %arg13[%get3A_42] {strides = array<i32>} : memref<256xi32, #tpu.memory_space<vmem>>, vector<16xi32>,
      %add3A_44 = arith.addi %add3A_41, %get3A_43 : vector<16xi32>
      %get3A_45 = arith.constant 192 : index
      %get3A_46 = tpu.vector_load %arg13[%get3A_45] {strides = array<i32>} : memref<256xi32, #tpu.memory_space<vmem>>, vector<16xi32>,
      %add3A_47 = arith.addi %add3A_44, %get3A_46 : vector<16xi32>
      %get3A_48 = arith.constant 208 : index
      %get3A_49 = tpu.vector_load %arg13[%get3A_48] {strides = array<i32>} : memref<256xi32, #tpu.memory_space<vmem>>, vector<16xi32>,
      %add3A_50 = arith.addi %add3A_47, %get3A_49 : vector<16xi32>
      %get3A_51 = arith.constant 224 : index
      %get3A_52 = tpu.vector_load %arg13[%get3A_51] {strides = array<i32>} : memref<256xi32, #tpu.memory_space<vmem>>, vector<16xi32>,
      %add3A_53 = arith.addi %add3A_50, %get3A_52 : vector<16xi32>
      %get3A_54 = arith.constant 240 : index
      %get3A_55 = tpu.vector_load %arg13[%get3A_54] {strides = array<i32>} : memref<256xi32, #tpu.memory_space<vmem>>, vector<16xi32>,
      %add3A_56 = arith.addi %add3A_53, %get3A_55 : vector<16xi32>
      %broadcast_in_dim3A_57 = arith.constant true
      %broadcast_in_dim3A_58 = vector.broadcast %broadcast_in_dim3A_57 : i1 to vector<16xi1>
      %masked_cumsum3A = tpu.scan <sum>, %add3A_56 masked %broadcast_in_dim3A_58 : vector<16xi32>, vector<16xi1> -> vector<16xi32>
      %sub3A = arith.subi %masked_cumsum3A, %add3A_56 : vector<16xi32>
      %eq3A_59 = vector.broadcast %arg1 : i32 to vector<16xi32>
      %eq3A_60 = arith.cmpi eq, %iota3A, %eq3A_59 : vector<16xi32>
      %jit3A = arith.constant 0 : i32
      %broadcast_in_dim3A_61 = vector.broadcast %jit3A : i32 to vector<16xi32>
      %select_n3A = arith.select %eq3A_60, %sub3A, %broadcast_in_dim3A_61 : vector<16xi1>, vector<16xi32>
      %reduce_sum3A = arith.constant true
      %reduce_sum3A_62 = vector.broadcast %reduce_sum3A : i1 to vector<16xi1>
      %reduce_sum3A_63 = tpu.scan <sum>, %select_n3A masked %reduce_sum3A_62 : vector<16xi32>, vector<16xi1> -> vector<16xi32>
      %reduce_sum3A_64 = vector.extract %reduce_sum3A_63[15] : i32 from vector<16xi32>
      %eq3A_65 = vector.broadcast %arg1 : i32 to vector<16xi32>
      %eq3A_66 = arith.cmpi eq, %iota3A, %eq3A_65 : vector<16xi32>
      %jit3A_67 = arith.constant 0 : i32
      %broadcast_in_dim3A_68 = vector.broadcast %jit3A_67 : i32 to vector<16xi32>
      %select_n3A_69 = arith.select %eq3A_66, %add3A_56, %broadcast_in_dim3A_68 : vector<16xi1>, vector<16xi32>
      %reduce_sum3A_70 = arith.constant true
      %reduce_sum3A_71 = vector.broadcast %reduce_sum3A_70 : i1 to vector<16xi1>
      %reduce_sum3A_72 = tpu.scan <sum>, %select_n3A_69 masked %reduce_sum3A_71 : vector<16xi32>, vector<16xi1> -> vector<16xi32>
      %reduce_sum3A_73 = vector.extract %reduce_sum3A_72[15] : i32 from vector<16xi32>
      %add3A_74 = arith.addi %reduce_sum3A_64, %reduce_sum3A_73 : i32
      %and3A = arith.constant -8 : i32
      %and3A_75 = arith.andi %reduce_sum3A_64, %and3A : i32
      %min3A = arith.constant 28672 : i32
      %min3A_76 = arith.minsi %and3A_75, %min3A : i32
      %multiple_of3A_77 = tpu.assume_multiple %min3A_76, 8 : i32
      %sub3A_78 = arith.subi %add3A_74, %multiple_of3A_77 : i32
      %add3A_79 = arith.constant 32 : i32
      %add3A_80 = arith.addi %sub3A_78, %add3A_79 : i32
      %sub3A_81 = arith.constant 1 : i32
      %sub3A_82 = arith.subi %add3A_80, %sub3A_81 : i32
      %shift_right_arithmetic3A = arith.constant 5 : i32
      %shift_right_arithmetic3A_83 = arith.shrsi %sub3A_82, %shift_right_arithmetic3A : i32
      %dma_start3A = tpu.memref_slice %arg3[%multiple_of3A_77] : memref<32768xf32, #tpu.memory_space<hbm>> -> memref<4096xf32, #tpu.memory_space<hbm>>
      %dma_start3A_84 = tpu.memref_slice %arg3[%multiple_of3A_77] : memref<32768xf32, #tpu.memory_space<hbm>> -> memref<4096xf32, #tpu.memory_space<hbm>>
      tpu.enqueue_dma source(%dma_start3A_84 : memref<4096xf32, #tpu.memory_space<hbm>>) target(%arg9 : memref<4096xf32, #tpu.memory_space<vmem>>) target_semaphore(%arg18 : memref<!tpu.dma_semaphore, #tpu.memory_space<semaphore_mem>>)
      %dma_start3A_85 = tpu.memref_slice %arg2[%multiple_of3A_77] : memref<32768xf32, #tpu.memory_space<hbm>> -> memref<4096xf32, #tpu.memory_space<hbm>>
      %dma_start3A_86 = tpu.memref_slice %arg2[%multiple_of3A_77] : memref<32768xf32, #tpu.memory_space<hbm>> -> memref<4096xf32, #tpu.memory_space<hbm>>
      tpu.enqueue_dma source(%dma_start3A_86 : memref<4096xf32, #tpu.memory_space<hbm>>) target(%arg8 : memref<4096xf32, #tpu.memory_space<vmem>>) target_semaphore(%arg18 : memref<!tpu.dma_semaphore, #tpu.memory_space<semaphore_mem>>)
      %dma_start3A_87 = tpu.memref_slice %arg4[%multiple_of3A_77] : memref<32768xi32, #tpu.memory_space<hbm>> -> memref<4096xi32, #tpu.memory_space<hbm>>
      %dma_start3A_88 = tpu.memref_slice %arg4[%multiple_of3A_77] : memref<32768xi32, #tpu.memory_space<hbm>> -> memref<4096xi32, #tpu.memory_space<hbm>>
      tpu.enqueue_dma source(%dma_start3A_88 : memref<4096xi32, #tpu.memory_space<hbm>>) target(%arg10 : memref<4096xi32, #tpu.memory_space<vmem>>) target_semaphore(%arg18 : memref<!tpu.dma_semaphore, #tpu.memory_space<semaphore_mem>>)
      %parallel_loop3A_89 = arith.constant 0 : i32
      %parallel_loop3A_90 = arith.constant 64 : i32
      %parallel_loop3A_91 = arith.constant 1 : i32
      scf.for %parallel_loop3A_157 = %parallel_loop3A_89 to %parallel_loop3A_90 step %parallel_loop3A_91  : i32 {
        %parallel_loop3A_158 = arith.constant 0 : i32
        %parallel_loop3A_159 = vector.broadcast %parallel_loop3A_158 : i32 to vector<16xi32>
        %parallel_loop3A_160 = arith.constant 16 : i32
        %parallel_loop3A_161 = arith.muli %parallel_loop3A_157, %parallel_loop3A_160 : i32
        %parallel_loop3A_162 = arith.index_cast %parallel_loop3A_161 : i32 to index
        %parallel_loop3A_163 = tpu.vector_load %arg11[%parallel_loop3A_162] {strides = array<i32>} : memref<1024xi32, #tpu.memory_space<vmem>>, vector<16xi32>,
        tpu.vector_store %arg11[%parallel_loop3A_162], %parallel_loop3A_159 {strides = array<i32>} : memref<1024xi32, #tpu.memory_space<vmem>>, vector<16xi32>,
      } {sc.loop_unroll_factor = 1 : i64, sc.parallel_access}
      %dma_wait3A = tpu.memref_slice %arg3[%multiple_of3A_77] : memref<32768xf32, #tpu.memory_space<hbm>> -> memref<4096xf32, #tpu.memory_space<hbm>>
      %dma_wait3A_92 = tpu.memref_slice %arg3[%multiple_of3A_77] : memref<32768xf32, #tpu.memory_space<hbm>> -> memref<4096xf32, #tpu.memory_space<hbm>>
      tpu.wait_dma2 semaphore(%arg18 : memref<!tpu.dma_semaphore, #tpu.memory_space<semaphore_mem>>) src(%dma_wait3A_92 : memref<4096xf32, #tpu.memory_space<hbm>>) dst(%arg9 : memref<4096xf32, #tpu.memory_space<vmem>>)
      %dma_wait3A_93 = tpu.memref_slice %arg2[%multiple_of3A_77] : memref<32768xf32, #tpu.memory_space<hbm>> -> memref<4096xf32, #tpu.memory_space<hbm>>
      %dma_wait3A_94 = tpu.memref_slice %arg2[%multiple_of3A_77] : memref<32768xf32, #tpu.memory_space<hbm>> -> memref<4096xf32, #tpu.memory_space<hbm>>
      tpu.wait_dma2 semaphore(%arg18 : memref<!tpu.dma_semaphore, #tpu.memory_space<semaphore_mem>>) src(%dma_wait3A_94 : memref<4096xf32, #tpu.memory_space<hbm>>) dst(%arg8 : memref<4096xf32, #tpu.memory_space<vmem>>)
      %dma_wait3A_95 = tpu.memref_slice %arg4[%multiple_of3A_77] : memref<32768xi32, #tpu.memory_space<hbm>> -> memref<4096xi32, #tpu.memory_space<hbm>>
      %dma_wait3A_96 = tpu.memref_slice %arg4[%multiple_of3A_77] : memref<32768xi32, #tpu.memory_space<hbm>> -> memref<4096xi32, #tpu.memory_space<hbm>>
      tpu.wait_dma2 semaphore(%arg18 : memref<!tpu.dma_semaphore, #tpu.memory_space<semaphore_mem>>) src(%dma_wait3A_96 : memref<4096xi32, #tpu.memory_space<hbm>>) dst(%arg10 : memref<4096xi32, #tpu.memory_space<vmem>>)
      %parallel_loop3A_97 = arith.constant 0 : i32
      %parallel_loop3A_98 = arith.constant 1 : i32
      %parallel_loop3A_99 = arith.constant 0.000000e+00 : f32
      %parallel_loop3A_100 = arith.constant 0.000000e+00 : f32
      %parallel_loop3A_101:2 = scf.for %parallel_loop3A_157 = %parallel_loop3A_97 to %shift_right_arithmetic3A_83 step %parallel_loop3A_98 iter_args(%parallel_loop3A_158 = %parallel_loop3A_99, %parallel_loop3A_159 = %parallel_loop3A_100) -> (f32, f32)  : i32 {
        %parallel_loop3A_160 = arith.constant 2 : i32
        %parallel_loop3A_161 = arith.muli %parallel_loop3A_157, %parallel_loop3A_160 : i32
        %parallel_loop3A_162 = arith.constant 16 : i32
        %parallel_loop3A_163 = arith.muli %parallel_loop3A_161, %parallel_loop3A_162 : i32
        %parallel_loop3A_164 = arith.constant 0 : i32
        %parallel_loop3A_165 = arith.addi %parallel_loop3A_163, %parallel_loop3A_164 : i32
        %parallel_loop3A_166 = arith.index_cast %parallel_loop3A_165 : i32 to index
        %parallel_loop3A_167 = tpu.vector_load %arg10[%parallel_loop3A_166] {strides = array<i32>} : memref<4096xi32, #tpu.memory_space<vmem>>, vector<16xi32>,
        %parallel_loop3A_168 = vector.broadcast %arg1 : i32 to vector<16xi32>
        %parallel_loop3A_169 = arith.cmpi eq, %parallel_loop3A_167, %parallel_loop3A_168 : vector<16xi32>
        %parallel_loop3A_170 = arith.index_cast %parallel_loop3A_165 : i32 to index
        %parallel_loop3A_171 = tpu.vector_load %arg9[%parallel_loop3A_170] {strides = array<i32>} : memref<4096xf32, #tpu.memory_space<vmem>>, vector<16xf32>,
        %parallel_loop3A_172 = tpu.bitcast %parallel_loop3A_171 : vector<16xf32> -> vector<16xi32>
        %parallel_loop3A_173 = arith.constant 1065353215 : i32
        %parallel_loop3A_174 = vector.broadcast %parallel_loop3A_173 : i32 to vector<16xi32>
        %parallel_loop3A_175 = arith.subi %parallel_loop3A_174, %parallel_loop3A_172 : vector<16xi32>
        %parallel_loop3A_176 = arith.constant 20 : i32
        %parallel_loop3A_177 = vector.broadcast %parallel_loop3A_176 : i32 to vector<16xi32>
        %parallel_loop3A_178 = arith.shrui %parallel_loop3A_175, %parallel_loop3A_177 : vector<16xi32>
        %parallel_loop3A_179 = arith.constant 1023 : i32
        %parallel_loop3A_180 = vector.broadcast %parallel_loop3A_179 : i32 to vector<16xi32>
        %parallel_loop3A_181 = arith.select %parallel_loop3A_169, %parallel_loop3A_178, %parallel_loop3A_180 : vector<16xi1>, vector<16xi32>
        %parallel_loop3A_182 = arith.index_cast %parallel_loop3A_165 : i32 to index
        %parallel_loop3A_183 = tpu.vector_load %arg6[%parallel_loop3A_182] {strides = array<i32>} : memref<4096xi32, #tpu.memory_space<vmem>>, vector<16xi32>,
        tpu.vector_store %arg6[%parallel_loop3A_182], %parallel_loop3A_181 {strides = array<i32>} : memref<4096xi32, #tpu.memory_space<vmem>>, vector<16xi32>,
        %parallel_loop3A_184 = arith.index_cast %parallel_loop3A_165 : i32 to index
        %parallel_loop3A_185 = tpu.vector_load %arg8[%parallel_loop3A_184] {strides = array<i32>} : memref<4096xf32, #tpu.memory_space<vmem>>, vector<16xf32>,
        %parallel_loop3A_186 = arith.constant 0.000000e+00 : f32
        %parallel_loop3A_187 = vector.broadcast %parallel_loop3A_186 : f32 to vector<16xf32>
        %parallel_loop3A_188 = arith.select %parallel_loop3A_169, %parallel_loop3A_185, %parallel_loop3A_187 : vector<16xi1>, vector<16xf32>
        %parallel_loop3A_189 = arith.constant true
        %parallel_loop3A_190 = vector.broadcast %parallel_loop3A_189 : i1 to vector<16xi1>
        %parallel_loop3A_191 = tpu.scan <sum>, %parallel_loop3A_188 masked %parallel_loop3A_190 : vector<16xf32>, vector<16xi1> -> vector<16xf32>
        %parallel_loop3A_192 = vector.extract %parallel_loop3A_191[15] : f32 from vector<16xf32>
        %parallel_loop3A_193 = arith.addf %parallel_loop3A_158, %parallel_loop3A_192 : f32
        %parallel_loop3A_194 = math.exp %parallel_loop3A_185 : vector<16xf32>
        %parallel_loop3A_195 = arith.constant 0.000000e+00 : f32
        %parallel_loop3A_196 = vector.broadcast %parallel_loop3A_195 : f32 to vector<16xf32>
        %parallel_loop3A_197 = arith.select %parallel_loop3A_169, %parallel_loop3A_194, %parallel_loop3A_196 : vector<16xi1>, vector<16xf32>
        %parallel_loop3A_198 = arith.index_cast %parallel_loop3A_165 : i32 to index
        %parallel_loop3A_199 = tpu.vector_load %arg8[%parallel_loop3A_198] {strides = array<i32>} : memref<4096xf32, #tpu.memory_space<vmem>>, vector<16xf32>,
        tpu.vector_store %arg8[%parallel_loop3A_198], %parallel_loop3A_197 {strides = array<i32>} : memref<4096xf32, #tpu.memory_space<vmem>>, vector<16xf32>,
        %parallel_loop3A_200 = arith.constant true
        %parallel_loop3A_201 = vector.broadcast %parallel_loop3A_200 : i1 to vector<16xi1>
        %parallel_loop3A_202 = tpu.scan <sum>, %parallel_loop3A_197 masked %parallel_loop3A_201 : vector<16xf32>, vector<16xi1> -> vector<16xf32>
        %parallel_loop3A_203 = vector.extract %parallel_loop3A_202[15] : f32 from vector<16xf32>
        %parallel_loop3A_204 = arith.addf %parallel_loop3A_159, %parallel_loop3A_203 : f32
        %parallel_loop3A_205 = arith.constant true
        %parallel_loop3A_206 = vector.broadcast %parallel_loop3A_205 : i1 to vector<16xi1>
        %parallel_loop3A_207, %parallel_loop3A_208 = tpu.scan_count mask(%parallel_loop3A_206 : vector<16xi1>) value(%parallel_loop3A_181 : vector<16xi32>) : vector<16xi1>, vector<16xi32>
        tpu.vector_store_idx %arg11[%parallel_loop3A_181], %parallel_loop3A_208 masked %parallel_loop3A_207 {add = true} : memref<1024xi32, #tpu.memory_space<vmem>>[vector<16xi32>], vector<16xi32>, vector<16xi1>
        %parallel_loop3A_209 = arith.constant 2 : i32
        %parallel_loop3A_210 = arith.muli %parallel_loop3A_157, %parallel_loop3A_209 : i32
        %parallel_loop3A_211 = arith.constant 16 : i32
        %parallel_loop3A_212 = arith.muli %parallel_loop3A_210, %parallel_loop3A_211 : i32
        %parallel_loop3A_213 = arith.constant 16 : i32
        %parallel_loop3A_214 = arith.addi %parallel_loop3A_212, %parallel_loop3A_213 : i32
        %parallel_loop3A_215 = arith.index_cast %parallel_loop3A_214 : i32 to index
        %parallel_loop3A_216 = tpu.vector_load %arg10[%parallel_loop3A_215] {strides = array<i32>} : memref<4096xi32, #tpu.memory_space<vmem>>, vector<16xi32>,
        %parallel_loop3A_217 = vector.broadcast %arg1 : i32 to vector<16xi32>
        %parallel_loop3A_218 = arith.cmpi eq, %parallel_loop3A_216, %parallel_loop3A_217 : vector<16xi32>
        %parallel_loop3A_219 = arith.index_cast %parallel_loop3A_214 : i32 to index
        %parallel_loop3A_220 = tpu.vector_load %arg9[%parallel_loop3A_219] {strides = array<i32>} : memref<4096xf32, #tpu.memory_space<vmem>>, vector<16xf32>,
        %parallel_loop3A_221 = tpu.bitcast %parallel_loop3A_220 : vector<16xf32> -> vector<16xi32>
        %parallel_loop3A_222 = arith.constant 1065353215 : i32
        %parallel_loop3A_223 = vector.broadcast %parallel_loop3A_222 : i32 to vector<16xi32>
        %parallel_loop3A_224 = arith.subi %parallel_loop3A_223, %parallel_loop3A_221 : vector<16xi32>
        %parallel_loop3A_225 = arith.constant 20 : i32
        %parallel_loop3A_226 = vector.broadcast %parallel_loop3A_225 : i32 to vector<16xi32>
        %parallel_loop3A_227 = arith.shrui %parallel_loop3A_224, %parallel_loop3A_226 : vector<16xi32>
        %parallel_loop3A_228 = arith.constant 1023 : i32
        %parallel_loop3A_229 = vector.broadcast %parallel_loop3A_228 : i32 to vector<16xi32>
        %parallel_loop3A_230 = arith.select %parallel_loop3A_218, %parallel_loop3A_227, %parallel_loop3A_229 : vector<16xi1>, vector<16xi32>
        %parallel_loop3A_231 = arith.index_cast %parallel_loop3A_214 : i32 to index
        %parallel_loop3A_232 = tpu.vector_load %arg6[%parallel_loop3A_231] {strides = array<i32>} : memref<4096xi32, #tpu.memory_space<vmem>>, vector<16xi32>,
        tpu.vector_store %arg6[%parallel_loop3A_231], %parallel_loop3A_230 {strides = array<i32>} : memref<4096xi32, #tpu.memory_space<vmem>>, vector<16xi32>,
        %parallel_loop3A_233 = arith.index_cast %parallel_loop3A_214 : i32 to index
        %parallel_loop3A_234 = tpu.vector_load %arg8[%parallel_loop3A_233] {strides = array<i32>} : memref<4096xf32, #tpu.memory_space<vmem>>, vector<16xf32>,
        %parallel_loop3A_235 = arith.constant 0.000000e+00 : f32
        %parallel_loop3A_236 = vector.broadcast %parallel_loop3A_235 : f32 to vector<16xf32>
        %parallel_loop3A_237 = arith.select %parallel_loop3A_218, %parallel_loop3A_234, %parallel_loop3A_236 : vector<16xi1>, vector<16xf32>
        %parallel_loop3A_238 = arith.constant true
        %parallel_loop3A_239 = vector.broadcast %parallel_loop3A_238 : i1 to vector<16xi1>
        %parallel_loop3A_240 = tpu.scan <sum>, %parallel_loop3A_237 masked %parallel_loop3A_239 : vector<16xf32>, vector<16xi1> -> vector<16xf32>
        %parallel_loop3A_241 = vector.extract %parallel_loop3A_240[15] : f32 from vector<16xf32>
        %parallel_loop3A_242 = arith.addf %parallel_loop3A_193, %parallel_loop3A_241 : f32
        %parallel_loop3A_243 = math.exp %parallel_loop3A_234 : vector<16xf32>
        %parallel_loop3A_244 = arith.constant 0.000000e+00 : f32
        %parallel_loop3A_245 = vector.broadcast %parallel_loop3A_244 : f32 to vector<16xf32>
        %parallel_loop3A_246 = arith.select %parallel_loop3A_218, %parallel_loop3A_243, %parallel_loop3A_245 : vector<16xi1>, vector<16xf32>
        %parallel_loop3A_247 = arith.index_cast %parallel_loop3A_214 : i32 to index
        %parallel_loop3A_248 = tpu.vector_load %arg8[%parallel_loop3A_247] {strides = array<i32>} : memref<4096xf32, #tpu.memory_space<vmem>>, vector<16xf32>,
        tpu.vector_store %arg8[%parallel_loop3A_247], %parallel_loop3A_246 {strides = array<i32>} : memref<4096xf32, #tpu.memory_space<vmem>>, vector<16xf32>,
        %parallel_loop3A_249 = arith.constant true
        %parallel_loop3A_250 = vector.broadcast %parallel_loop3A_249 : i1 to vector<16xi1>
        %parallel_loop3A_251 = tpu.scan <sum>, %parallel_loop3A_246 masked %parallel_loop3A_250 : vector<16xf32>, vector<16xi1> -> vector<16xf32>
        %parallel_loop3A_252 = vector.extract %parallel_loop3A_251[15] : f32 from vector<16xf32>
        %parallel_loop3A_253 = arith.addf %parallel_loop3A_204, %parallel_loop3A_252 : f32
        %parallel_loop3A_254 = arith.constant true
        %parallel_loop3A_255 = vector.broadcast %parallel_loop3A_254 : i1 to vector<16xi1>
        %parallel_loop3A_256, %parallel_loop3A_257 = tpu.scan_count mask(%parallel_loop3A_255 : vector<16xi1>) value(%parallel_loop3A_230 : vector<16xi32>) : vector<16xi1>, vector<16xi32>
        tpu.vector_store_idx %arg11[%parallel_loop3A_230], %parallel_loop3A_257 masked %parallel_loop3A_256 {add = true} : memref<1024xi32, #tpu.memory_space<vmem>>[vector<16xi32>], vector<16xi32>, vector<16xi1>
        scf.yield %parallel_loop3A_242, %parallel_loop3A_253 : f32, f32
      } {sc.loop_unroll_factor = 2 : i64, sc.parallel_access}
      %parallel_loop3A_102 = arith.constant 0 : i32
      %parallel_loop3A_103 = arith.constant 64 : i32
      %parallel_loop3A_104 = arith.constant 1 : i32
      %parallel_loop3A_105 = arith.constant 0 : i32
      %parallel_loop3A_106 = scf.for %parallel_loop3A_157 = %parallel_loop3A_102 to %parallel_loop3A_103 step %parallel_loop3A_104 iter_args(%parallel_loop3A_158 = %parallel_loop3A_105) -> (i32)  : i32 {
        %parallel_loop3A_159 = arith.constant 16 : i32
        %parallel_loop3A_160 = arith.muli %parallel_loop3A_157, %parallel_loop3A_159 : i32
        %parallel_loop3A_161 = arith.index_cast %parallel_loop3A_160 : i32 to index
        %parallel_loop3A_162 = tpu.vector_load %arg11[%parallel_loop3A_161] {strides = array<i32>} : memref<1024xi32, #tpu.memory_space<vmem>>, vector<16xi32>,
        %parallel_loop3A_163 = arith.constant true
        %parallel_loop3A_164 = vector.broadcast %parallel_loop3A_163 : i1 to vector<16xi1>
        %parallel_loop3A_165 = tpu.scan <sum>, %parallel_loop3A_162 masked %parallel_loop3A_164 : vector<16xi32>, vector<16xi1> -> vector<16xi32>
        %parallel_loop3A_166 = arith.subi %parallel_loop3A_165, %parallel_loop3A_162 : vector<16xi32>
        %parallel_loop3A_167 = vector.broadcast %parallel_loop3A_158 : i32 to vector<16xi32>
        %parallel_loop3A_168 = arith.addi %parallel_loop3A_166, %parallel_loop3A_167 : vector<16xi32>
        %parallel_loop3A_169 = arith.constant 1 : i32
        %parallel_loop3A_170 = vector.broadcast %parallel_loop3A_169 : i32 to vector<16xi32>
        %parallel_loop3A_171 = arith.subi %parallel_loop3A_168, %parallel_loop3A_170 : vector<16xi32>
        %parallel_loop3A_172 = arith.index_cast %parallel_loop3A_160 : i32 to index
        %parallel_loop3A_173 = tpu.vector_load %arg11[%parallel_loop3A_172] {strides = array<i32>} : memref<1024xi32, #tpu.memory_space<vmem>>, vector<16xi32>,
        tpu.vector_store %arg11[%parallel_loop3A_172], %parallel_loop3A_171 {strides = array<i32>} : memref<1024xi32, #tpu.memory_space<vmem>>, vector<16xi32>,
        %parallel_loop3A_174 = arith.constant true
        %parallel_loop3A_175 = vector.broadcast %parallel_loop3A_174 : i1 to vector<16xi1>
        %parallel_loop3A_176 = tpu.scan <sum>, %parallel_loop3A_162 masked %parallel_loop3A_175 : vector<16xi32>, vector<16xi1> -> vector<16xi32>
        %parallel_loop3A_177 = vector.extract %parallel_loop3A_176[15] : i32 from vector<16xi32>
        %parallel_loop3A_178 = arith.addi %parallel_loop3A_158, %parallel_loop3A_177 : i32
        scf.yield %parallel_loop3A_178 : i32
      } {sc.loop_unroll_factor = 1 : i64, sc.parallel_access}
      %sub3A_107 = arith.constant 0 : i32
      %sub3A_108 = arith.subi %shift_right_arithmetic3A_83, %sub3A_107 : i32
      %sub3A_109 = arith.constant 1 : i32
      %sub3A_110 = arith.constant 1 : i32
      %sub3A_111 = arith.subi %sub3A_109, %sub3A_110 : i32
      %add3A_112 = arith.addi %sub3A_108, %sub3A_111 : i32
      %div3A = arith.constant 1 : i32
      %div3A_113 = arith.divsi %add3A_112, %div3A : i32
      %while3A = arith.constant 1 : i32
      %while3A_114 = arith.constant 0 : i32
      %while3A_115 = arith.constant 0 : i32
      %while3A_116 = arith.subi %div3A_113, %while3A_115 : i32
      %while3A_117 = arith.addi %while3A_115, %while3A_116 : i32
      %while3A_118 = arith.constant 1 : i32
      %while3A_119 = arith.divsi %while3A_116, %while3A_118 : i32
      %while3A_120 = arith.muli %while3A_119, %while3A_118 : i32
      %while3A_121 = arith.addi %while3A_115, %while3A_120 : i32
      %while3A_122 = arith.constant 1 : i32
      scf.for %while3A_157 = %while3A_115 to %while3A_121 step %while3A_122  : i32 {
        %mul3A_158 = arith.muli %while3A_157, %while3A : i32
        %add3A_159 = arith.addi %while3A_114, %mul3A_158 : i32
        %mul3A_160 = arith.constant 2 : i32
        %mul3A_161 = arith.muli %add3A_159, %mul3A_160 : i32
        %mul3A_162 = arith.constant 16 : i32
        %mul3A_163 = arith.muli %mul3A_161, %mul3A_162 : i32
        %add3A_164 = arith.constant 0 : i32
        %add3A_165 = arith.addi %mul3A_163, %add3A_164 : i32
        %get3A_166 = arith.index_cast %add3A_165 : i32 to index
        %get3A_167 = tpu.vector_load %arg6[%get3A_166] {strides = array<i32>} : memref<4096xi32, #tpu.memory_space<vmem>>, vector<16xi32>,
        %broadcast_in_dim3A_168 = arith.constant true
        %broadcast_in_dim3A_169 = vector.broadcast %broadcast_in_dim3A_168 : i1 to vector<16xi1>
        %unique3A, %unique3A_170 = tpu.scan_count mask(%broadcast_in_dim3A_169 : vector<16xi1>) value(%get3A_167 : vector<16xi32>) : vector<16xi1>, vector<16xi32>
        %gather3A = tpu.vector_load_idx %arg11[%get3A_167] : memref<1024xi32, #tpu.memory_space<vmem>>[vector<16xi32>], vector<16xi32>,
        %add3A_171 = arith.addi %gather3A, %unique3A_170 : vector<16xi32>
        %add3A_172 = vector.broadcast %add3A_165 : i32 to vector<16xi32>
        %add3A_173 = arith.addi %add3A_172, %iota3A : vector<16xi32>
        tpu.vector_store_idx %arg7[%add3A_171], %add3A_173 : memref<4096xi32, #tpu.memory_space<vmem>>[vector<16xi32>], vector<16xi32>,
        tpu.vector_store_idx %arg11[%get3A_167], %unique3A_170 masked %unique3A {add = true} : memref<1024xi32, #tpu.memory_space<vmem>>[vector<16xi32>], vector<16xi32>, vector<16xi1>
        %mul3A_174 = arith.constant 2 : i32
        %mul3A_175 = arith.muli %add3A_159, %mul3A_174 : i32
        %mul3A_176 = arith.constant 16 : i32
        %mul3A_177 = arith.muli %mul3A_175, %mul3A_176 : i32
        %add3A_178 = arith.constant 16 : i32
        %add3A_179 = arith.addi %mul3A_177, %add3A_178 : i32
        %get3A_180 = arith.index_cast %add3A_179 : i32 to index
        %get3A_181 = tpu.vector_load %arg6[%get3A_180] {strides = array<i32>} : memref<4096xi32, #tpu.memory_space<vmem>>, vector<16xi32>,
        %broadcast_in_dim3A_182 = arith.constant true
        %broadcast_in_dim3A_183 = vector.broadcast %broadcast_in_dim3A_182 : i1 to vector<16xi1>
        %unique3A_184, %unique3A_185 = tpu.scan_count mask(%broadcast_in_dim3A_183 : vector<16xi1>) value(%get3A_181 : vector<16xi32>) : vector<16xi1>, vector<16xi32>
        %gather3A_186 = tpu.vector_load_idx %arg11[%get3A_181] : memref<1024xi32, #tpu.memory_space<vmem>>[vector<16xi32>], vector<16xi32>,
        %add3A_187 = arith.addi %gather3A_186, %unique3A_185 : vector<16xi32>
        %add3A_188 = vector.broadcast %add3A_179 : i32 to vector<16xi32>
        %add3A_189 = arith.addi %add3A_188, %iota3A : vector<16xi32>
        tpu.vector_store_idx %arg7[%add3A_187], %add3A_189 : memref<4096xi32, #tpu.memory_space<vmem>>[vector<16xi32>], vector<16xi32>,
        tpu.vector_store_idx %arg11[%get3A_181], %unique3A_185 masked %unique3A_184 {add = true} : memref<1024xi32, #tpu.memory_space<vmem>>[vector<16xi32>], vector<16xi32>, vector<16xi1>
      }
      %while3A_123 = arith.constant 1 : i32
      scf.for %while3A_157 = %while3A_121 to %while3A_117 step %while3A_123  : i32 {
        %mul3A_158 = arith.muli %while3A_157, %while3A : i32
        %add3A_159 = arith.addi %while3A_114, %mul3A_158 : i32
        %mul3A_160 = arith.constant 2 : i32
        %mul3A_161 = arith.muli %add3A_159, %mul3A_160 : i32
        %mul3A_162 = arith.constant 16 : i32
        %mul3A_163 = arith.muli %mul3A_161, %mul3A_162 : i32
        %add3A_164 = arith.constant 0 : i32
        %add3A_165 = arith.addi %mul3A_163, %add3A_164 : i32
        %get3A_166 = arith.index_cast %add3A_165 : i32 to index
        %get3A_167 = tpu.vector_load %arg6[%get3A_166] {strides = array<i32>} : memref<4096xi32, #tpu.memory_space<vmem>>, vector<16xi32>,
        %broadcast_in_dim3A_168 = arith.constant true
        %broadcast_in_dim3A_169 = vector.broadcast %broadcast_in_dim3A_168 : i1 to vector<16xi1>
        %unique3A, %unique3A_170 = tpu.scan_count mask(%broadcast_in_dim3A_169 : vector<16xi1>) value(%get3A_167 : vector<16xi32>) : vector<16xi1>, vector<16xi32>
        %gather3A = tpu.vector_load_idx %arg11[%get3A_167] : memref<1024xi32, #tpu.memory_space<vmem>>[vector<16xi32>], vector<16xi32>,
        %add3A_171 = arith.addi %gather3A, %unique3A_170 : vector<16xi32>
        %add3A_172 = vector.broadcast %add3A_165 : i32 to vector<16xi32>
        %add3A_173 = arith.addi %add3A_172, %iota3A : vector<16xi32>
        tpu.vector_store_idx %arg7[%add3A_171], %add3A_173 : memref<4096xi32, #tpu.memory_space<vmem>>[vector<16xi32>], vector<16xi32>,
        tpu.vector_store_idx %arg11[%get3A_167], %unique3A_170 masked %unique3A {add = true} : memref<1024xi32, #tpu.memory_space<vmem>>[vector<16xi32>], vector<16xi32>, vector<16xi1>
        %mul3A_174 = arith.constant 2 : i32
        %mul3A_175 = arith.muli %add3A_159, %mul3A_174 : i32
        %mul3A_176 = arith.constant 16 : i32
        %mul3A_177 = arith.muli %mul3A_175, %mul3A_176 : i32
        %add3A_178 = arith.constant 16 : i32
        %add3A_179 = arith.addi %mul3A_177, %add3A_178 : i32
        %get3A_180 = arith.index_cast %add3A_179 : i32 to index
        %get3A_181 = tpu.vector_load %arg6[%get3A_180] {strides = array<i32>} : memref<4096xi32, #tpu.memory_space<vmem>>, vector<16xi32>,
        %broadcast_in_dim3A_182 = arith.constant true
        %broadcast_in_dim3A_183 = vector.broadcast %broadcast_in_dim3A_182 : i1 to vector<16xi1>
        %unique3A_184, %unique3A_185 = tpu.scan_count mask(%broadcast_in_dim3A_183 : vector<16xi1>) value(%get3A_181 : vector<16xi32>) : vector<16xi1>, vector<16xi32>
        %gather3A_186 = tpu.vector_load_idx %arg11[%get3A_181] : memref<1024xi32, #tpu.memory_space<vmem>>[vector<16xi32>], vector<16xi32>,
        %add3A_187 = arith.addi %gather3A_186, %unique3A_185 : vector<16xi32>
        %add3A_188 = vector.broadcast %add3A_179 : i32 to vector<16xi32>
        %add3A_189 = arith.addi %add3A_188, %iota3A : vector<16xi32>
        tpu.vector_store_idx %arg7[%add3A_187], %add3A_189 : memref<4096xi32, #tpu.memory_space<vmem>>[vector<16xi32>], vector<16xi32>,
        tpu.vector_store_idx %arg11[%get3A_181], %unique3A_185 masked %unique3A_184 {add = true} : memref<1024xi32, #tpu.memory_space<vmem>>[vector<16xi32>], vector<16xi32>, vector<16xi1>
      }
      %broadcast_in_dim3A_124 = arith.constant 0.000000e+00 : f32
      %broadcast_in_dim3A_125 = vector.broadcast %broadcast_in_dim3A_124 : f32 to vector<16xf32>
      %parallel_loop3A_126 = arith.constant 0 : i32
      %parallel_loop3A_127 = arith.constant 1 : i32
      %parallel_loop3A_128:3 = scf.for %parallel_loop3A_157 = %parallel_loop3A_126 to %shift_right_arithmetic3A_83 step %parallel_loop3A_127 iter_args(%parallel_loop3A_158 = %parallel_loop3A_101#1, %parallel_loop3A_159 = %broadcast_in_dim3A_125, %parallel_loop3A_160 = %broadcast_in_dim3A_125) -> (f32, vector<16xf32>, vector<16xf32>)  : i32 {
        %parallel_loop3A_161 = arith.constant 2 : i32
        %parallel_loop3A_162 = arith.muli %parallel_loop3A_157, %parallel_loop3A_161 : i32
        %parallel_loop3A_163 = arith.constant 16 : i32
        %parallel_loop3A_164 = arith.muli %parallel_loop3A_162, %parallel_loop3A_163 : i32
        %parallel_loop3A_165 = arith.constant 16 : i32
        %parallel_loop3A_166 = arith.addi %parallel_loop3A_164, %parallel_loop3A_165 : i32
        %parallel_loop3A_167 = arith.index_cast %parallel_loop3A_164 : i32 to index
        %parallel_loop3A_168 = tpu.vector_load %arg7[%parallel_loop3A_167] {strides = array<i32>} : memref<4096xi32, #tpu.memory_space<vmem>>, vector<16xi32>,
        %parallel_loop3A_169 = arith.index_cast %parallel_loop3A_166 : i32 to index
        %parallel_loop3A_170 = tpu.vector_load %arg7[%parallel_loop3A_169] {strides = array<i32>} : memref<4096xi32, #tpu.memory_space<vmem>>, vector<16xi32>,
        %parallel_loop3A_171 = tpu.vector_load_idx %arg8[%parallel_loop3A_168] : memref<4096xf32, #tpu.memory_space<vmem>>[vector<16xi32>], vector<16xf32>,
        %parallel_loop3A_172 = tpu.vector_load_idx %arg8[%parallel_loop3A_170] : memref<4096xf32, #tpu.memory_space<vmem>>[vector<16xi32>], vector<16xf32>,
        %parallel_loop3A_173 = arith.constant true
        %parallel_loop3A_174 = vector.broadcast %parallel_loop3A_173 : i1 to vector<16xi1>
        %parallel_loop3A_175 = tpu.scan <sum>, %parallel_loop3A_171 masked %parallel_loop3A_174 : vector<16xf32>, vector<16xi1> -> vector<16xf32>
        %parallel_loop3A_176 = arith.constant true
        %parallel_loop3A_177 = vector.broadcast %parallel_loop3A_176 : i1 to vector<16xi1>
        %parallel_loop3A_178 = tpu.scan <sum>, %parallel_loop3A_172 masked %parallel_loop3A_177 : vector<16xf32>, vector<16xi1> -> vector<16xf32>
        %parallel_loop3A_179 = arith.constant true
        %parallel_loop3A_180 = vector.broadcast %parallel_loop3A_179 : i1 to vector<16xi1>
        %parallel_loop3A_181 = tpu.scan <sum>, %parallel_loop3A_171 masked %parallel_loop3A_180 : vector<16xf32>, vector<16xi1> -> vector<16xf32>
        %parallel_loop3A_182 = vector.extract %parallel_loop3A_181[15] : f32 from vector<16xf32>
        %parallel_loop3A_183 = arith.constant true
        %parallel_loop3A_184 = vector.broadcast %parallel_loop3A_183 : i1 to vector<16xi1>
        %parallel_loop3A_185 = tpu.scan <sum>, %parallel_loop3A_172 masked %parallel_loop3A_184 : vector<16xf32>, vector<16xi1> -> vector<16xf32>
        %parallel_loop3A_186 = vector.extract %parallel_loop3A_185[15] : f32 from vector<16xf32>
        %parallel_loop3A_187 = vector.broadcast %parallel_loop3A_158 : f32 to vector<16xf32>
        %parallel_loop3A_188 = arith.subf %parallel_loop3A_187, %parallel_loop3A_175 : vector<16xf32>
        %parallel_loop3A_189 = arith.addf %parallel_loop3A_188, %parallel_loop3A_171 : vector<16xf32>
        %parallel_loop3A_190 = arith.constant 0.000000e+00 : f32
        %parallel_loop3A_191 = vector.broadcast %parallel_loop3A_190 : f32 to vector<16xf32>
        %parallel_loop3A_192 = arith.maximumf %parallel_loop3A_189, %parallel_loop3A_191 : vector<16xf32>
        %parallel_loop3A_193 = arith.subf %parallel_loop3A_158, %parallel_loop3A_182 : f32
        %parallel_loop3A_194 = vector.broadcast %parallel_loop3A_193 : f32 to vector<16xf32>
        %parallel_loop3A_195 = arith.subf %parallel_loop3A_194, %parallel_loop3A_178 : vector<16xf32>
        %parallel_loop3A_196 = arith.addf %parallel_loop3A_195, %parallel_loop3A_172 : vector<16xf32>
        %parallel_loop3A_197 = arith.constant 0.000000e+00 : f32
        %parallel_loop3A_198 = vector.broadcast %parallel_loop3A_197 : f32 to vector<16xf32>
        %parallel_loop3A_199 = arith.maximumf %parallel_loop3A_196, %parallel_loop3A_198 : vector<16xf32>
        %parallel_loop3A_200 = vector.broadcast %parallel_loop3A_164 : i32 to vector<16xi32>
        %parallel_loop3A_201 = arith.addi %parallel_loop3A_200, %iota3A : vector<16xi32>
        %parallel_loop3A_202 = vector.broadcast %reduce_sum3A_73 : i32 to vector<16xi32>
        %parallel_loop3A_203 = arith.cmpi slt, %parallel_loop3A_201, %parallel_loop3A_202 : vector<16xi32>
        %parallel_loop3A_204 = arith.constant 9.99999996E-13 : f32
        %parallel_loop3A_205 = vector.broadcast %parallel_loop3A_204 : f32 to vector<16xf32>
        %parallel_loop3A_206 = arith.addf %parallel_loop3A_192, %parallel_loop3A_205 : vector<16xf32>
        %parallel_loop3A_207 = tpu.bitcast %parallel_loop3A_206 : vector<16xf32> -> vector<16xi32>
        %parallel_loop3A_208 = arith.constant 23 : i32
        %parallel_loop3A_209 = vector.broadcast %parallel_loop3A_208 : i32 to vector<16xi32>
        %parallel_loop3A_210 = arith.shrui %parallel_loop3A_207, %parallel_loop3A_209 : vector<16xi32>
        %parallel_loop3A_211 = arith.constant 127 : i32
        %parallel_loop3A_212 = vector.broadcast %parallel_loop3A_211 : i32 to vector<16xi32>
        %parallel_loop3A_213 = arith.subi %parallel_loop3A_210, %parallel_loop3A_212 : vector<16xi32>
        %parallel_loop3A_214 = arith.constant 8388607 : i32
        %parallel_loop3A_215 = vector.broadcast %parallel_loop3A_214 : i32 to vector<16xi32>
        %parallel_loop3A_216 = arith.andi %parallel_loop3A_207, %parallel_loop3A_215 : vector<16xi32>
        %parallel_loop3A_217 = arith.constant 1065353216 : i32
        %parallel_loop3A_218 = vector.broadcast %parallel_loop3A_217 : i32 to vector<16xi32>
        %parallel_loop3A_219 = arith.ori %parallel_loop3A_216, %parallel_loop3A_218 : vector<16xi32>
        %parallel_loop3A_220 = tpu.bitcast %parallel_loop3A_219 : vector<16xi32> -> vector<16xf32>
        %parallel_loop3A_221 = arith.constant 1.000000e+00 : f32
        %parallel_loop3A_222 = vector.broadcast %parallel_loop3A_221 : f32 to vector<16xf32>
        %parallel_loop3A_223 = arith.subf %parallel_loop3A_220, %parallel_loop3A_222 : vector<16xf32>
        %parallel_loop3A_224 = arith.mulf %parallel_loop3A_223, %parallel_loop3A_223 : vector<16xf32>
        %parallel_loop3A_225 = arith.constant 0.0439286269 : f32
        %parallel_loop3A_226 = vector.broadcast %parallel_loop3A_225 : f32 to vector<16xf32>
        %parallel_loop3A_227 = arith.mulf %parallel_loop3A_226, %parallel_loop3A_223 : vector<16xf32>
        %parallel_loop3A_228 = arith.constant -0.189832449 : f32
        %parallel_loop3A_229 = vector.broadcast %parallel_loop3A_228 : f32 to vector<16xf32>
        %parallel_loop3A_230 = arith.addf %parallel_loop3A_227, %parallel_loop3A_229 : vector<16xf32>
        %parallel_loop3A_231 = arith.mulf %parallel_loop3A_230, %parallel_loop3A_224 : vector<16xf32>
        %parallel_loop3A_232 = arith.constant 0.411561489 : f32
        %parallel_loop3A_233 = vector.broadcast %parallel_loop3A_232 : f32 to vector<16xf32>
        %parallel_loop3A_234 = arith.mulf %parallel_loop3A_233, %parallel_loop3A_223 : vector<16xf32>
        %parallel_loop3A_235 = arith.constant -0.707253456 : f32
        %parallel_loop3A_236 = vector.broadcast %parallel_loop3A_235 : f32 to vector<16xf32>
        %parallel_loop3A_237 = arith.addf %parallel_loop3A_234, %parallel_loop3A_236 : vector<16xf32>
        %parallel_loop3A_238 = arith.addf %parallel_loop3A_231, %parallel_loop3A_237 : vector<16xf32>
        %parallel_loop3A_239 = arith.mulf %parallel_loop3A_238, %parallel_loop3A_224 : vector<16xf32>
        %parallel_loop3A_240 = arith.constant 1.4415921 : f32
        %parallel_loop3A_241 = vector.broadcast %parallel_loop3A_240 : f32 to vector<16xf32>
        %parallel_loop3A_242 = arith.mulf %parallel_loop3A_241, %parallel_loop3A_223 : vector<16xf32>
        %parallel_loop3A_243 = arith.constant 1.43909301E-5 : f32
        %parallel_loop3A_244 = vector.broadcast %parallel_loop3A_243 : f32 to vector<16xf32>
        %parallel_loop3A_245 = arith.addf %parallel_loop3A_242, %parallel_loop3A_244 : vector<16xf32>
        %parallel_loop3A_246 = arith.addf %parallel_loop3A_239, %parallel_loop3A_245 : vector<16xf32>
        %parallel_loop3A_247 = arith.sitofp %parallel_loop3A_213 : vector<16xi32> to vector<16xf32>
        %parallel_loop3A_248 = arith.addf %parallel_loop3A_247, %parallel_loop3A_246 : vector<16xf32>
        %parallel_loop3A_249 = arith.constant 0.693147182 : f32
        %parallel_loop3A_250 = vector.broadcast %parallel_loop3A_249 : f32 to vector<16xf32>
        %parallel_loop3A_251 = arith.mulf %parallel_loop3A_248, %parallel_loop3A_250 : vector<16xf32>
        %parallel_loop3A_252 = arith.constant 0.000000e+00 : f32
        %parallel_loop3A_253 = vector.broadcast %parallel_loop3A_252 : f32 to vector<16xf32>
        %parallel_loop3A_254 = arith.select %parallel_loop3A_203, %parallel_loop3A_251, %parallel_loop3A_253 : vector<16xi1>, vector<16xf32>
        %parallel_loop3A_255 = arith.addf %parallel_loop3A_159, %parallel_loop3A_254 : vector<16xf32>
        %parallel_loop3A_256 = vector.broadcast %parallel_loop3A_166 : i32 to vector<16xi32>
        %parallel_loop3A_257 = arith.addi %parallel_loop3A_256, %iota3A : vector<16xi32>
        %parallel_loop3A_258 = vector.broadcast %reduce_sum3A_73 : i32 to vector<16xi32>
        %parallel_loop3A_259 = arith.cmpi slt, %parallel_loop3A_257, %parallel_loop3A_258 : vector<16xi32>
        %parallel_loop3A_260 = arith.constant 9.99999996E-13 : f32
        %parallel_loop3A_261 = vector.broadcast %parallel_loop3A_260 : f32 to vector<16xf32>
        %parallel_loop3A_262 = arith.addf %parallel_loop3A_199, %parallel_loop3A_261 : vector<16xf32>
        %parallel_loop3A_263 = tpu.bitcast %parallel_loop3A_262 : vector<16xf32> -> vector<16xi32>
        %parallel_loop3A_264 = arith.constant 23 : i32
        %parallel_loop3A_265 = vector.broadcast %parallel_loop3A_264 : i32 to vector<16xi32>
        %parallel_loop3A_266 = arith.shrui %parallel_loop3A_263, %parallel_loop3A_265 : vector<16xi32>
        %parallel_loop3A_267 = arith.constant 127 : i32
        %parallel_loop3A_268 = vector.broadcast %parallel_loop3A_267 : i32 to vector<16xi32>
        %parallel_loop3A_269 = arith.subi %parallel_loop3A_266, %parallel_loop3A_268 : vector<16xi32>
        %parallel_loop3A_270 = arith.constant 8388607 : i32
        %parallel_loop3A_271 = vector.broadcast %parallel_loop3A_270 : i32 to vector<16xi32>
        %parallel_loop3A_272 = arith.andi %parallel_loop3A_263, %parallel_loop3A_271 : vector<16xi32>
        %parallel_loop3A_273 = arith.constant 1065353216 : i32
        %parallel_loop3A_274 = vector.broadcast %parallel_loop3A_273 : i32 to vector<16xi32>
        %parallel_loop3A_275 = arith.ori %parallel_loop3A_272, %parallel_loop3A_274 : vector<16xi32>
        %parallel_loop3A_276 = tpu.bitcast %parallel_loop3A_275 : vector<16xi32> -> vector<16xf32>
        %parallel_loop3A_277 = arith.constant 1.000000e+00 : f32
        %parallel_loop3A_278 = vector.broadcast %parallel_loop3A_277 : f32 to vector<16xf32>
        %parallel_loop3A_279 = arith.subf %parallel_loop3A_276, %parallel_loop3A_278 : vector<16xf32>
        %parallel_loop3A_280 = arith.mulf %parallel_loop3A_279, %parallel_loop3A_279 : vector<16xf32>
        %parallel_loop3A_281 = arith.constant 0.0439286269 : f32
        %parallel_loop3A_282 = vector.broadcast %parallel_loop3A_281 : f32 to vector<16xf32>
        %parallel_loop3A_283 = arith.mulf %parallel_loop3A_282, %parallel_loop3A_279 : vector<16xf32>
        %parallel_loop3A_284 = arith.constant -0.189832449 : f32
        %parallel_loop3A_285 = vector.broadcast %parallel_loop3A_284 : f32 to vector<16xf32>
        %parallel_loop3A_286 = arith.addf %parallel_loop3A_283, %parallel_loop3A_285 : vector<16xf32>
        %parallel_loop3A_287 = arith.mulf %parallel_loop3A_286, %parallel_loop3A_280 : vector<16xf32>
        %parallel_loop3A_288 = arith.constant 0.411561489 : f32
        %parallel_loop3A_289 = vector.broadcast %parallel_loop3A_288 : f32 to vector<16xf32>
        %parallel_loop3A_290 = arith.mulf %parallel_loop3A_289, %parallel_loop3A_279 : vector<16xf32>
        %parallel_loop3A_291 = arith.constant -0.707253456 : f32
        %parallel_loop3A_292 = vector.broadcast %parallel_loop3A_291 : f32 to vector<16xf32>
        %parallel_loop3A_293 = arith.addf %parallel_loop3A_290, %parallel_loop3A_292 : vector<16xf32>
        %parallel_loop3A_294 = arith.addf %parallel_loop3A_287, %parallel_loop3A_293 : vector<16xf32>
        %parallel_loop3A_295 = arith.mulf %parallel_loop3A_294, %parallel_loop3A_280 : vector<16xf32>
        %parallel_loop3A_296 = arith.constant 1.4415921 : f32
        %parallel_loop3A_297 = vector.broadcast %parallel_loop3A_296 : f32 to vector<16xf32>
        %parallel_loop3A_298 = arith.mulf %parallel_loop3A_297, %parallel_loop3A_279 : vector<16xf32>
        %parallel_loop3A_299 = arith.constant 1.43909301E-5 : f32
        %parallel_loop3A_300 = vector.broadcast %parallel_loop3A_299 : f32 to vector<16xf32>
        %parallel_loop3A_301 = arith.addf %parallel_loop3A_298, %parallel_loop3A_300 : vector<16xf32>
        %parallel_loop3A_302 = arith.addf %parallel_loop3A_295, %parallel_loop3A_301 : vector<16xf32>
        %parallel_loop3A_303 = arith.sitofp %parallel_loop3A_269 : vector<16xi32> to vector<16xf32>
        %parallel_loop3A_304 = arith.addf %parallel_loop3A_303, %parallel_loop3A_302 : vector<16xf32>
        %parallel_loop3A_305 = arith.constant 0.693147182 : f32
        %parallel_loop3A_306 = vector.broadcast %parallel_loop3A_305 : f32 to vector<16xf32>
        %parallel_loop3A_307 = arith.mulf %parallel_loop3A_304, %parallel_loop3A_306 : vector<16xf32>
        %parallel_loop3A_308 = arith.constant 0.000000e+00 : f32
        %parallel_loop3A_309 = vector.broadcast %parallel_loop3A_308 : f32 to vector<16xf32>
        %parallel_loop3A_310 = arith.select %parallel_loop3A_259, %parallel_loop3A_307, %parallel_loop3A_309 : vector<16xi1>, vector<16xf32>
        %parallel_loop3A_311 = arith.addf %parallel_loop3A_160, %parallel_loop3A_310 : vector<16xf32>
        %parallel_loop3A_312 = arith.subf %parallel_loop3A_158, %parallel_loop3A_182 : f32
        %parallel_loop3A_313 = arith.subf %parallel_loop3A_312, %parallel_loop3A_186 : f32
        scf.yield %parallel_loop3A_313, %parallel_loop3A_255, %parallel_loop3A_311 : f32, vector<16xf32>, vector<16xf32>
      } {sc.loop_unroll_factor = 2 : i64, sc.parallel_access}
      %add3A_129 = arith.addf %parallel_loop3A_128#1, %parallel_loop3A_128#2 : vector<16xf32>
      %swap3A_130 = arith.constant 0 : index
      %swap3A_131 = tpu.vector_load %arg14[%swap3A_130] {strides = array<i32>} : memref<16xf32, #tpu.memory_space<vmem>>, vector<16xf32>,
      tpu.vector_store %arg14[%swap3A_130], %add3A_129 {strides = array<i32>} : memref<16xf32, #tpu.memory_space<vmem>>, vector<16xf32>,
      %get3A_132 = arith.constant 0 : index
      %get3A_133 = tpu.vector_load %arg14[%get3A_132] {strides = array<i32>} : memref<16xf32, #tpu.memory_space<vmem>>, vector<16xf32>,
      %reduce_sum3A_134 = arith.constant true
      %reduce_sum3A_135 = vector.broadcast %reduce_sum3A_134 : i1 to vector<16xi1>
      %reduce_sum3A_136 = tpu.scan <sum>, %get3A_133 masked %reduce_sum3A_135 : vector<16xf32>, vector<16xi1> -> vector<16xf32>
      %reduce_sum3A_137 = vector.extract %reduce_sum3A_136[15] : f32 from vector<16xf32>
      %sub3A_138 = arith.subf %reduce_sum3A_137, %parallel_loop3A_101#0 : f32
      %eq3A_139 = arith.constant 0 : i32
      %eq3A_140 = vector.broadcast %eq3A_139 : i32 to vector<16xi32>
      %eq3A_141 = arith.cmpi eq, %iota3A, %eq3A_140 : vector<16xi32>
      %jit3A_142 = arith.constant 0.000000e+00 : f32
      %broadcast_in_dim3A_143 = vector.broadcast %sub3A_138 : f32 to vector<16xf32>
      %broadcast_in_dim3A_144 = vector.broadcast %jit3A_142 : f32 to vector<16xf32>
      %select_n3A_145 = arith.select %eq3A_141, %broadcast_in_dim3A_143, %broadcast_in_dim3A_144 : vector<16xi1>, vector<16xf32>
      %swap3A_146 = arith.constant 0 : index
      %swap3A_147 = tpu.vector_load %arg14[%swap3A_146] {strides = array<i32>} : memref<16xf32, #tpu.memory_space<vmem>>, vector<16xf32>,
      tpu.vector_store %arg14[%swap3A_146], %select_n3A_145 {strides = array<i32>} : memref<16xf32, #tpu.memory_space<vmem>>, vector<16xf32>,
      %mul3A_148 = arith.constant 16 : i32
      %mul3A_149 = arith.muli %arg1, %mul3A_148 : i32
      %multiple_of3A_150 = tpu.assume_multiple %mul3A_149, 8 : i32
      "tpu.region"() ({
        %run_scoped3A = tpu.sem_alloc : memref<!tpu.dma_semaphore, #tpu.memory_space<semaphore_mem>>
        %dma_start3A_157 = tpu.memref_slice %arg17[%multiple_of3A_150] : memref<256xf32, #tpu.memory_space<vmem_shared>> -> memref<16xf32, #tpu.memory_space<vmem_shared>>
        %dma_start3A_158 = tpu.memref_slice %arg17[%multiple_of3A_150] : memref<256xf32, #tpu.memory_space<vmem_shared>> -> memref<16xf32, #tpu.memory_space<vmem_shared>>
        tpu.enqueue_dma source(%arg14 : memref<16xf32, #tpu.memory_space<vmem>>) target(%dma_start3A_158 : memref<16xf32, #tpu.memory_space<vmem_shared>>) target_semaphore(%run_scoped3A : memref<!tpu.dma_semaphore, #tpu.memory_space<semaphore_mem>>)
        %dma_wait3A_159 = tpu.memref_slice %arg17[%multiple_of3A_150] : memref<256xf32, #tpu.memory_space<vmem_shared>> -> memref<16xf32, #tpu.memory_space<vmem_shared>>
        %dma_wait3A_160 = tpu.memref_slice %arg17[%multiple_of3A_150] : memref<256xf32, #tpu.memory_space<vmem_shared>> -> memref<16xf32, #tpu.memory_space<vmem_shared>>
        tpu.wait_dma2 semaphore(%run_scoped3A : memref<!tpu.dma_semaphore, #tpu.memory_space<semaphore_mem>>) src(%arg14 : memref<16xf32, #tpu.memory_space<vmem>>) dst(%dma_wait3A_160 : memref<16xf32, #tpu.memory_space<vmem_shared>>)
        tpu.yield
      }) : () -> ()
      %barrier3A_151 = arith.constant 0 : index
      tpu.barrier barrier_id(%barrier3A_151)
      %eq3A_152 = arith.constant 0 : i32
      %eq3A_153 = arith.cmpi eq, %arg1, %eq3A_152 : i32
      %convert_element_type3A_154 = arith.extui %eq3A_153 : i1 to i32
      %cond3A_155 = arith.constant 0 : i32
      %cond3A_156 = arith.cmpi ne, %convert_element_type3A_154, %cond3A_155 : i32
      scf.if %cond3A_156 {
        "tpu.region"() ({
          %run_scoped3A = tpu.sem_alloc : memref<!tpu.dma_semaphore, #tpu.memory_space<semaphore_mem>>
          tpu.enqueue_dma source(%arg17 : memref<256xf32, #tpu.memory_space<vmem_shared>>) target(%arg15 : memref<256xf32, #tpu.memory_space<vmem>>) target_semaphore(%run_scoped3A : memref<!tpu.dma_semaphore, #tpu.memory_space<semaphore_mem>>)
          tpu.wait_dma2 semaphore(%run_scoped3A : memref<!tpu.dma_semaphore, #tpu.memory_space<semaphore_mem>>) src(%arg17 : memref<256xf32, #tpu.memory_space<vmem_shared>>) dst(%arg15 : memref<256xf32, #tpu.memory_space<vmem>>)
          tpu.yield
        }) : () -> ()
        %broadcast_in_dim3A_157 = arith.constant 0.000000e+00 : f32
        %broadcast_in_dim3A_158 = vector.broadcast %broadcast_in_dim3A_157 : f32 to vector<16xf32>
        %get3A_159 = arith.constant 0 : index
        %get3A_160 = tpu.vector_load %arg15[%get3A_159] {strides = array<i32>} : memref<256xf32, #tpu.memory_space<vmem>>, vector<16xf32>,
        %add3A_161 = arith.addf %broadcast_in_dim3A_158, %get3A_160 : vector<16xf32>
        %get3A_162 = arith.constant 16 : index
        %get3A_163 = tpu.vector_load %arg15[%get3A_162] {strides = array<i32>} : memref<256xf32, #tpu.memory_space<vmem>>, vector<16xf32>,
        %add3A_164 = arith.addf %add3A_161, %get3A_163 : vector<16xf32>
        %get3A_165 = arith.constant 32 : index
        %get3A_166 = tpu.vector_load %arg15[%get3A_165] {strides = array<i32>} : memref<256xf32, #tpu.memory_space<vmem>>, vector<16xf32>,
        %add3A_167 = arith.addf %add3A_164, %get3A_166 : vector<16xf32>
        %get3A_168 = arith.constant 48 : index
        %get3A_169 = tpu.vector_load %arg15[%get3A_168] {strides = array<i32>} : memref<256xf32, #tpu.memory_space<vmem>>, vector<16xf32>,
        %add3A_170 = arith.addf %add3A_167, %get3A_169 : vector<16xf32>
        %get3A_171 = arith.constant 64 : index
        %get3A_172 = tpu.vector_load %arg15[%get3A_171] {strides = array<i32>} : memref<256xf32, #tpu.memory_space<vmem>>, vector<16xf32>,
        %add3A_173 = arith.addf %add3A_170, %get3A_172 : vector<16xf32>
        %get3A_174 = arith.constant 80 : index
        %get3A_175 = tpu.vector_load %arg15[%get3A_174] {strides = array<i32>} : memref<256xf32, #tpu.memory_space<vmem>>, vector<16xf32>,
        %add3A_176 = arith.addf %add3A_173, %get3A_175 : vector<16xf32>
        %get3A_177 = arith.constant 96 : index
        %get3A_178 = tpu.vector_load %arg15[%get3A_177] {strides = array<i32>} : memref<256xf32, #tpu.memory_space<vmem>>, vector<16xf32>,
        %add3A_179 = arith.addf %add3A_176, %get3A_178 : vector<16xf32>
        %get3A_180 = arith.constant 112 : index
        %get3A_181 = tpu.vector_load %arg15[%get3A_180] {strides = array<i32>} : memref<256xf32, #tpu.memory_space<vmem>>, vector<16xf32>,
        %add3A_182 = arith.addf %add3A_179, %get3A_181 : vector<16xf32>
        %get3A_183 = arith.constant 128 : index
        %get3A_184 = tpu.vector_load %arg15[%get3A_183] {strides = array<i32>} : memref<256xf32, #tpu.memory_space<vmem>>, vector<16xf32>,
        %add3A_185 = arith.addf %add3A_182, %get3A_184 : vector<16xf32>
        %get3A_186 = arith.constant 144 : index
        %get3A_187 = tpu.vector_load %arg15[%get3A_186] {strides = array<i32>} : memref<256xf32, #tpu.memory_space<vmem>>, vector<16xf32>,
        %add3A_188 = arith.addf %add3A_185, %get3A_187 : vector<16xf32>
        %get3A_189 = arith.constant 160 : index
        %get3A_190 = tpu.vector_load %arg15[%get3A_189] {strides = array<i32>} : memref<256xf32, #tpu.memory_space<vmem>>, vector<16xf32>,
        %add3A_191 = arith.addf %add3A_188, %get3A_190 : vector<16xf32>
        %get3A_192 = arith.constant 176 : index
        %get3A_193 = tpu.vector_load %arg15[%get3A_192] {strides = array<i32>} : memref<256xf32, #tpu.memory_space<vmem>>, vector<16xf32>,
        %add3A_194 = arith.addf %add3A_191, %get3A_193 : vector<16xf32>
        %get3A_195 = arith.constant 192 : index
        %get3A_196 = tpu.vector_load %arg15[%get3A_195] {strides = array<i32>} : memref<256xf32, #tpu.memory_space<vmem>>, vector<16xf32>,
        %add3A_197 = arith.addf %add3A_194, %get3A_196 : vector<16xf32>
        %get3A_198 = arith.constant 208 : index
        %get3A_199 = tpu.vector_load %arg15[%get3A_198] {strides = array<i32>} : memref<256xf32, #tpu.memory_space<vmem>>, vector<16xf32>,
        %add3A_200 = arith.addf %add3A_197, %get3A_199 : vector<16xf32>
        %get3A_201 = arith.constant 224 : index
        %get3A_202 = tpu.vector_load %arg15[%get3A_201] {strides = array<i32>} : memref<256xf32, #tpu.memory_space<vmem>>, vector<16xf32>,
        %add3A_203 = arith.addf %add3A_200, %get3A_202 : vector<16xf32>
        %get3A_204 = arith.constant 240 : index
        %get3A_205 = tpu.vector_load %arg15[%get3A_204] {strides = array<i32>} : memref<256xf32, #tpu.memory_space<vmem>>, vector<16xf32>,
        %add3A_206 = arith.addf %add3A_203, %get3A_205 : vector<16xf32>
        %reduce_sum3A_207 = arith.constant true
        %reduce_sum3A_208 = vector.broadcast %reduce_sum3A_207 : i1 to vector<16xi1>
        %reduce_sum3A_209 = tpu.scan <sum>, %add3A_206 masked %reduce_sum3A_208 : vector<16xf32>, vector<16xi1> -> vector<16xf32>
        %reduce_sum3A_210 = vector.extract %reduce_sum3A_209[15] : f32 from vector<16xf32>
        %mul3A_211 = arith.constant 6.250000e-02 : f32
        %mul3A_212 = arith.mulf %reduce_sum3A_210, %mul3A_211 : f32
        %eq3A_213 = arith.constant 0 : i32
        %eq3A_214 = vector.broadcast %eq3A_213 : i32 to vector<16xi32>
        %eq3A_215 = arith.cmpi eq, %iota3A, %eq3A_214 : vector<16xi32>
        %jit3A_216 = arith.constant 0.000000e+00 : f32
        %broadcast_in_dim3A_217 = vector.broadcast %mul3A_212 : f32 to vector<16xf32>
        %broadcast_in_dim3A_218 = vector.broadcast %jit3A_216 : f32 to vector<16xf32>
        %select_n3A_219 = arith.select %eq3A_215, %broadcast_in_dim3A_217, %broadcast_in_dim3A_218 : vector<16xi1>, vector<16xf32>
        %swap3A_220 = arith.constant 0 : index
        %swap3A_221 = tpu.vector_load %arg14[%swap3A_220] {strides = array<i32>} : memref<16xf32, #tpu.memory_space<vmem>>, vector<16xf32>,
        tpu.vector_store %arg14[%swap3A_220], %select_n3A_219 {strides = array<i32>} : memref<16xf32, #tpu.memory_space<vmem>>, vector<16xf32>,
        "tpu.region"() ({
          %run_scoped3A = tpu.sem_alloc : memref<!tpu.dma_semaphore, #tpu.memory_space<semaphore_mem>>
          tpu.enqueue_dma source(%arg14 : memref<16xf32, #tpu.memory_space<vmem>>) target(%arg5 : memref<16xf32, #tpu.memory_space<hbm>>) target_semaphore(%run_scoped3A : memref<!tpu.dma_semaphore, #tpu.memory_space<semaphore_mem>>)
          tpu.wait_dma2 semaphore(%run_scoped3A : memref<!tpu.dma_semaphore, #tpu.memory_space<semaphore_mem>>) src(%arg14 : memref<16xf32, #tpu.memory_space<vmem>>) dst(%arg5 : memref<16xf32, #tpu.memory_space<hbm>>)
          tpu.yield
        }) : () -> ()
      } else {
      }
    } else {
    }
    return
  }
}

</mosaic_0001>

<sc_bundles>
// kernel: kernel.3.cloned.1.call-start
scs
__scs_entry_jumppad:
0x0: {  	(pc) =	sbr.rel $0x88, $3  }
0x1: {  	(tag) =	ssettag $0x0;
	lr =	simm.s32 $0x1  }
0x2: {  	[smem:$0x3F9E] =	sst lr;
	_ =	strace $0xD0000000  }
0x3: {  	_ = 	snop  }
0x4: {  	_ = 	snop  }
0x5: {  	_ = 	snop  }
0x6: {  	_ = 	snop  }
0x7: {  	_ = 	snop  }
__scs_overlays_trampoline_lowered:
0x8: {  	[smem:$0x3FAD] =	sst s0  }
0x9: {  	[smem:$0x3FAE] =	sst s1  }
0xa: {  	[smem:$0x3FAF] =	sst s2  }
0xb: {  	[smem:$0x3FB0] =	sst s3  }
0xc: {  	[smem:$0x3FB1] =	sst s4  }
0xd: {  	[smem:$0x3FB2] =	sst s5  }
0xe: {  	[smem:$0x3FB3] =	sst s6  }
0xf: {  	[smem:$0x3FB4] =	sst s7  }
0x10: {  	[smem:$0x3FB5] =	sst s8  }
0x11: {  	[smem:$0x3FB6] =	sst s9;
	s0 =	simm.s32 @!p0 $0x0  }
0x12: {  	s1 =	sld [smem:$0x3F9C];
	s0 =	simm.s32 @p0 $0x1  }
0x13: {  	[smem:$0x3FB7] =	sst s0;
	s0 =	simm.s32 @!p1 $0x0  }
0x14: {  	s2 =	sld [smem:$0x3F9B];
	s0 =	simm.s32 @p1 $0x1  }
0x15: {  	[smem:$0x3FB8] =	sst s0;
	s0 =	simm.s32 @!p2 $0x0  }
0x16: {  	s3 =	sld [smem:$0x3FDB];
	s0 =	simm.s32 @p2 $0x1  }
0x17: {  	s4 =	simm.s32 $0x1BF5;
	[smem:$0x3FBA] =	sst s0  }
0x18: {  	s0 =	sld [smem:$0x3F9D];
	_ =	swait.ge [sflag:s4], $0x0  }
0x19: {  	s7 =	sld [smem:$0x3F9E]  }
0x1a: {  	s8 =	sadd.s32 $0xFFFFE003, lr  }
0x1b: {  	s9 =	sadd.s32 $0xFFFFFEF7, lr;
	s5 =	simm.s32 $0xFFFFFFFF;
	p2 =	slt.u32 s8, $0xFFFFF086  }
0x1c: {  	p1 =	slt.u32 s9, $0xF7A;
	s5 =	simm.s32 @!p2 $0x0  }
0x1d: {  	s5 =	simm.s32 @p1 $0x1;
	p0 =	seq.s32 s7, s2  }
0x1e: {  	s7 =	smul.u32 @!p0 $0xF7A, s2;
	p2 =	seq.s32 @!p0 s5, $0x0  }
0x1f: {  	s9 =	smul.u32 $0xF7A, s1;
	s8 =	simm.s32 @!p0 $0x1BF5;
	p2 =	por !p2, p0  }
0x20: {  	[sflag:s8] =	ssyncset.s32 @!p0 $0xFFFFF086;
	s6 =	sadd.s32 @!p0 s3, s7;
	s7 =	simm.s32 @!p0 $0x108  }
0x21: {  	s3 =	sadd.s32 s3, s9;
	s6 =	sadd.s32 @!p0 $0x88, s6;
	s7 =	simm.s32 @p2 $0x1082  }
0x22: {  	[simem:s7], [sflag:s8] =	dma.local @!p0 [hbm:s6], $0xF7A  }
0x23: {  	s9 =	sor.u32 $0xD0000000, s2;
	s6 =	simm.s32 $0x108;
	_ =	swait.ge @!p0 [sflag:s8], $0x0  }
0x24: {  	s3 =	sadd.s32 $0x88, s3;
	s6 =	simm.s32 @!p1 $0x1082;
	[sflag:s4] =	ssyncset.s32 $0xFFFFF086  }
0x25: {  	[simem:s6], [sflag:s4] =	dma.local [hbm:s3], $0xF7A  }
0x26: {  	[smem:$0x3F9E] =	sst s1;
	(tag) =	ssettag s2;
	_ =	strace s9  }
0x27: {  	s1 =	sld [smem:$0x3FAE]  }
0x28: {  	s2 =	sld [smem:$0x3FAF]  }
0x29: {  	s4 =	sld [smem:$0x3FB1]  }
0x2a: {  	p0 =	seq.s32 s5, $0x0;
	s5 =	sld [smem:$0x3FB2]  }
0x2b: {  	s6 =	sld [smem:$0x3FB3]  }
0x2c: {  	s7 =	sld [smem:$0x3FB4]  }
0x2d: {  	s3 =	simm.s32 $0x108;
	s8 =	sld [smem:$0x3FB5]  }
0x2e: {  	s3 =	simm.s32 @!p0 $0x1082;
	s9 =	sld [smem:$0x3FB6]  }
0x2f: {  	lr =	sadd.s32 s0, s3;
	s0 =	sld [smem:$0x3FAD]  }
0x30: {  	s3 =	sld [smem:$0x3FB0]  }
0x31: {  	[smem:$0x3FB9] =	sst s10  }
0x32: {  	s10 =	sld [smem:$0x3FB7];
	_ =	sdelay $0x3  }
0x33: {  	p0 =	seq.s32 s10, $0x1;
	s10 =	sld [smem:$0x3FB9];
	_ =	sdelay $0x3  }
0x34: {  	[smem:$0x3FB9] =	sst s10  }
0x35: {  	s10 =	sld [smem:$0x3FB8];
	_ =	sdelay $0x3  }
0x36: {  	p1 =	seq.s32 s10, $0x1;
	s10 =	sld [smem:$0x3FB9];
	_ =	sdelay $0x3  }
0x37: {  	[smem:$0x3FB9] =	sst s10  }
0x38: {  	s10 =	sld [smem:$0x3FBA]  }
0x39: {  	_ = 	snop;
	(pc) =	sbr.ind lr, $3  }
0x3a: {  	_ = 	snop  }
0x3b: {  	_ = 	snop  }
0x3c: {  	p2 =	seq.s32 s10, $0x1;
	s10 =	sld [smem:$0x3FB9]  }
0x3d: {  	_ =	shalt  }
0x3e: {  	_ =	shalt  }
0x3f: {  	_ =	shalt  }
0x40: {  	_ =	shalt  }
0x41: {  	_ =	shalt  }
0x42: {  	_ =	shalt  }
0x43: {  	_ =	shalt  }
0x44: {  	_ =	shalt  }
0x45: {  	_ =	shalt  }
0x46: {  	_ =	shalt  }
0x47: {  	_ =	shalt  }
0x48: {  	_ =	shalt  }
0x49: {  	_ =	shalt  }
0x4a: {  	_ =	shalt  }
0x4b: {  	_ =	shalt  }
0x4c: {  	_ =	shalt  }
0x4d: {  	_ =	shalt  }
0x4e: {  	_ =	shalt  }
0x4f: {  	_ =	shalt  }
0x50: {  	_ =	shalt  }
0x51: {  	_ =	shalt  }
0x52: {  	_ =	shalt  }
0x53: {  	_ =	shalt  }
0x54: {  	_ =	shalt  }
0x55: {  	_ =	shalt  }
0x56: {  	_ =	shalt  }
0x57: {  	_ =	shalt  }
0x58: {  	_ =	shalt  }
0x59: {  	_ =	shalt  }
0x5a: {  	_ =	shalt  }
0x5b: {  	_ =	shalt  }
0x5c: {  	_ =	shalt  }
0x5d: {  	_ =	shalt  }
0x5e: {  	_ =	shalt  }
0x5f: {  	_ =	shalt  }
0x60: {  	_ =	shalt  }
0x61: {  	_ =	shalt  }
0x62: {  	_ =	shalt  }
0x63: {  	_ =	shalt  }
0x64: {  	_ =	shalt  }
0x65: {  	_ =	shalt  }
0x66: {  	_ =	shalt  }
0x67: {  	_ =	shalt  }
0x68: {  	_ =	shalt  }
0x69: {  	_ =	shalt  }
0x6a: {  	_ =	shalt  }
0x6b: {  	_ =	shalt  }
0x6c: {  	_ =	shalt  }
0x6d: {  	_ =	shalt  }
0x6e: {  	_ =	shalt  }
0x6f: {  	_ =	shalt  }
0x70: {  	_ =	shalt  }
0x71: {  	_ =	shalt  }
0x72: {  	_ =	shalt  }
0x73: {  	_ =	shalt  }
0x74: {  	_ =	shalt  }
0x75: {  	_ =	shalt  }
0x76: {  	_ =	shalt  }
0x77: {  	_ =	shalt  }
0x78: {  	_ =	shalt  }
0x79: {  	_ =	shalt  }
0x7a: {  	_ =	shalt  }
0x7b: {  	_ =	shalt  }
0x7c: {  	_ =	shalt  }
0x7d: {  	_ =	shalt  }
0x7e: {  	_ =	shalt  }
0x7f: {  	_ =	shalt  }
0x80: {  	_ =	shalt  }
0x81: {  	_ =	shalt  }
0x82: {  	_ =	shalt  }
0x83: {  	_ =	shalt  }
0x84: {  	_ =	shalt  }
0x85: {  	_ =	shalt  }
0x86: {  	_ =	shalt  }
0x87: {  	_ =	shalt  }
.Lfunc_end0:
.L_simem_size_0:
called_computation_lowered:
.L_overlay_start_0:
0x88: {  	s0 =	sld [smem:$0x3FD9]  }
0x89: {  	s1 =	sld [smem:$0x3FFE];
	_ =	sdelay $0x3  }
0x8a: {  	s0 =	sadd.s32 s1, s0  }
0x8b: {  	[smem:$0x3FC5] =	sst s0  }
0x8c: {  	_ = 	snop  }
0x8d: {  	s0 =	sld [smem:$0x3FC9]  }
0x8e: {  	s17 =	sld [smem:$0x3FC8]  }
0x8f: {  	s2 =	sld [smem:$0x3FC7]  }
0x90: {  	s3 =	sld [smem:$0x3FD0];
	(tm) =	ssettm $0x1  }
0x91: {  	s4 =	sld [smem:$0x3FFB];
	_ =	sdelay $0x3  }
0x92: {  	_ =	strace s4  }
0x93: {  	s4 =	sld [smem:$0x3FFC];
	_ =	sdelay $0x3  }
0x94: {  	_ =	strace s4  }
0x95: {  	s4 =	sld [smem:$0x3FFD];
	_ =	sdelay $0x3  }
0x96: {  	_ =	strace s4  }
0x97: {  	_ =	strace $0x8FFFFFFF  }
0x98: {  	s18 =	sld [smem:$0x3FDB];
	_ =	sdelay $0x1  }
0x99: {  	s5 =	simm.s32 $_scs_section_size  }
0x9a: {  	s6 =	simm.s32 $_size__tile_overlayer_lowered;
	s7 =	simm.s32 $_tile_overlayer_lowered  }
0x9b: {  	s21 =	simm.s32 $0x1BFF;
	s20 =	sshll.u32 s7, $0x1;
	s4 =	sadd.s32 s5, s18  }
0x9c: {  	s8 =	simm.s32 $0x0;
	s19 =	sshll.u32 s6, $0x1;
	s6 =	sadd.s32 s20, s4  }
0x9d: {  	[timem:s8], [sflag:s21] =	dma.local [hbm:s6], s19  }
0x9e: {  	_ =	swait.ge [sflag:s21], s19  }
0x9f: {  	s5 =	ssub.s32 $0x0, s19;
	[sflag:s21] =	ssyncset.done $0x0  }
0xa0: {  	[sflag:s21] =	ssyncadd.s32 s5;
	_ =	sdelay $0x1  }
0xa1: {  	s22 =	simm.s32 $0x1B8B  }
0xa2: {  	_ =	swait.ge [sflag:s22], $0x1  }
0xa3: {  	[sflag:s22] =	ssyncset.done $0x0  }
0xa4: {  	s23 =	simm.s32 $0x1B8E;
	[sflag:s22] =	ssyncadd.s32 $0xFFFFFFFF  }
0xa5: {  	s24 =	simm.s32 $execute0_lowered;
	[smem:$0x3FD2] =	sst s23  }
0xa6: {  	s5 =	sshll.u32 s24, $0x1;
	_ =	strace $0x80000046;
	[dreg:$0x1] =	wrdreg $0xFFFFFFFF  }
0xa7: {  	s25 =	simm.s32 $_size_execute0_lowered;
	s4 =	sadd.s32 s4, s5;
	[dreg:$0x0] =	wrdreg $0x0  }
0xa8: {  	s5 =	sshll.u32 s25, $0x1;
	[dreg:$0x2] =	wrdreg s4  }
0xa9: {  	[dreg:$0x3] =	wrdreg s5  }
0xaa: {  	[dreg:$0x4] =	wrdreg $0xC0  }
0xab: {  	_ =	task [dreg:s8], $0x5FFFF  }
0xac: {  	[dreg:$0x1] =	wrdreg $0xFFFFFFFF  }
0xad: {  	[dreg:$0x0] =	wrdreg $0x60  }
0xae: {  	[dreg:$0x2] =	wrdreg s0  }
0xaf: {  	[dreg:$0x3] =	wrdreg s17  }
0xb0: {  	[dreg:$0x4] =	wrdreg s2  }
0xb1: {  	[dreg:$0x5] =	wrdreg s3  }
0xb2: {  	[dreg:$0x6] =	wrdreg $0x57000  }
0xb3: {  	[dreg:$0x7] =	wrdreg $0x57100  }
0xb4: {  	[dreg:$0x8] =	wrdreg $0x9  }
0xb5: {  	_ =	task.clear_ibuf [dreg:s8], $0x9FFFF;
	_ =	strace $0x90000046  }
0xb6: {  	s26 =	simm.s32 $0x9;
	_ =	strace $0x80000048  }
0xb7: {  	_ =	swait.ge [sflag:s26], $0x1  }
0xb8: {  	[sflag:s26] =	ssyncadd.s32 $0xFFFFFFFF  }
0xb9: {  	_ =	strace $0x90000048  }
0xba: {  	_ =	sfence  }
0xbb: {  	s28 =	sld [smem:$0x0];
	_ =	sdelay $0x1  }
0xbc: {  	s29 =	srdreg.scid  }
0xbd: {  	s30 =	sshll.u32 s29, $0xD;
	s31 =	sshrl.u32 s29, $0x2  }
0xbe: {  	s1 =	sand.u32 $0x1, s29;
	s2 =	sand.u32 $0x4000, s30;
	s0 =	sadd.s32 s31, s28  }
0xbf: {  	s1 =	sor.u32 s2, s1;
	s0 =	sshll.u32 s0, $0x11  }
0xc0: {  	s0 =	sor.u32 s0, s1  }
0xc1: {  	s0 =	sadd.s32 $0x8F2B, s0  }
0xc2: {  	[sflag:s0] =	ssyncadd.remote.s32 $0x1  }
0xc3: {  	_ =	sfence.sel $0xFFFF  }
0xc4: {  	[dreg:$0x0] =	wrdreg $0xFFFFFFFF;
	(pc) =	sbr.abs _section_cstart, $3  }
0xc5: {  	[dreg:$0x1] =	wrdreg $0xFFFFFFFF  }
0xc6: {  	_ =	task.clear_ibuf [dreg:s8], $0x2FFFF;
	_ =	strace $0x9FFFFFFF  }
0xc7: {  	(tm) =	ssettm $0x7FFFFFFF  }
tec
execute0_lowered:
.L_overlay_start_1:
0x0: {  	(tag) =	ssettag $0x1  }
0x1: {  	s1 =	rddreg [dreg:$0x0]  }
0x2: {  	s2 =	rddreg [dreg:$0x1]  }
0x3: {  	s0 =	rddreg [dreg:$0x2]  }
0x4: {  	s13 =	rddreg [dreg:$0x3]  }
0x5: {  	s3 =	rddreg [dreg:$0x4]  }
0x6: {  	s14 =	rddreg [dreg:$0x5]  }
0x7: {  	s17 =	rddreg [dreg:$0x6];
	s4 =	simm.s32 $0x0;
	s15 =	stileid.u32  }
0x8: {  	s6 =	simm.s32 $0x4000;
	[smem:$0x7FF] =	sst s4;
	s5 =	sshll.u32 s15, $0x8  }
0x9: {  	s30 =	simm.s32 $0x2;
	_ =	strace $0x80000047;
	s5 =	sadd.s32 s0, s5  }
0xa: {  	[tilespmem:s6], [sflag:$0x2] =	stream.linear.gather [hbm4b:s5+s4], $0x800, $0x38;
	[tilespmem:$0x5720] =	vst v63  }
0xb: {  	_ =	swait.ge [sflag:s30], $0x800  }
0xc: {  	[sflag:s30] =	ssyncset.done $0x0  }
0xd: {  	v0 =	vimm.s32 $0x0;
	[sflag:s30] =	ssyncadd.s32 $0xFFFFF800  }
0xe: {  	s31 =	simm.s32 $0x4020;
	[tilespmem:$0x5400] =	vst v0  }
0xf: {  	v0 =	vld [tilespmem:s31+$0x0];
	_ =	sdelay $0x4  }
0x10: {  	v1 =	vld [tilespmem:s31+$0xFFFFFFE0];
	(xrf1) =	vunique.msk.u32 $0xffff, v0;
	_ =	sdelay $0x1  }
0x11: {  	s7 =	simm.s32 $0x4060  }
0x12: {  	v2 =	vld [tilespmem:s7+$0x0];
	_ =	sdelay $0x1  }
0x13: {  	(xrf1) =	vunique.msk.u32 $0xffff, v1  }
0x14: {  	v5 =	vld [tilespmem:s7+$0xFFFFFFE0];
	_ =	sdelay $0x1  }
0x15: {  	s9 =	simm.s32 $0x40A0;
	(xrf1) =	vunique.msk.u32 $0xffff, v2  }
0x16: {  	v7 =	vld [tilespmem:s9+$0x0];
	_ =	sdelay $0x1  }
0x17: {  	(xrf1) =	vunique.msk.u32 $0xffff, v5;
	_ =	sdelay $0x2  }
0x18: {  	_, v4, vm0 =	vpop (xrf1);
	(xrf1) =	vunique.msk.u32 $0xffff, v7  }
0x19: {  	v10 =	vld [tilespmem:s9+$0xFFFFFFE0];
	_ =	sdelay $0x2  }
0x1a: {  	s5 =	simm.s32 $0x40E0  }
0x1b: {  	s4 =	simm.s32 $0x5400;
	v3 =	vld [tilespmem:s5+$0x0];
	_, v6, vm1 =	vpop (xrf1)  }
0x1c: {  	(xrf1) =	vunique.msk.u32 $0xffff, v10;
	[tilespmem:v0+s4+$0x0] =	vst.idx.add.s32.msk vm0, v4  }
0x1d: {  	v0 =	vld [tilespmem:s31+$0x10]  }
0x1e: {  	_, v8, vm0 =	vpop (xrf1)  }
0x1f: {  	s6 =	simm.s32 $0x4120  }
0x20: {  	v9 =	vld [tilespmem:s6+$0xFFFFFFE0];
	(xrf1) =	vunique.msk.u32 $0xffff, v3  }
0x21: {  	[tilespmem:v1+s4+$0x0] =	vst.idx.add.s32.msk vm1, v6;
	_, v11, vm1 =	vpop (xrf1)  }
0x22: {  	v4 =	vld [tilespmem:s5+$0xFFFFFFE0];
	(xrf1) =	vunique.msk.u32 $0xffff, v0  }
0x23: {  	v6 =	vld [tilespmem:s6+$0x0]  }
0x24: {  	[tilespmem:v2+s4+$0x0] =	vst.idx.add.s32.msk vm0, v8;
	_, v8, vm0 =	vpop (xrf1)  }
0x25: {  	v1 =	vld [tilespmem:s31+$0xFFFFFFF0]  }
0x26: {  	v2 =	vld [tilespmem:s7+$0x10]  }
0x27: {  	[tilespmem:v5+s4+$0x0] =	vst.idx.add.s32.msk vm1, v11  }
0x28: {  	(xrf1) =	vunique.msk.u32 $0xffff, v4;
	v5 =	vld [tilespmem:s7+$0xFFFFFFF0];
	s7 =	simm.s32 $0x4160  }
0x29: {  	v12 =	vld [tilespmem:s7+$0x0]  }
0x2a: {  	(xrf1) =	vunique.msk.u32 $0xffff, v1;
	_, v14, vm2 =	vpop (xrf1);
	[tilespmem:v7+s4+$0x0] =	vst.idx.add.s32.msk vm0, v8  }
0x2b: {  	(xrf1) =	vunique.msk.u32 $0xffff, v6;
	v8 =	vld [tilespmem:s9+$0x10]  }
0x2c: {  	(xrf1) =	vunique.msk.u32 $0xffff, v2  }
0x2d: {  	(xrf1) =	vunique.msk.u32 $0xffff, v9  }
0x2e: {  	_, v13, vm1 =	vpop (xrf1);
	(xrf1) =	vunique.msk.u32 $0xffff, v5  }
0x2f: {  	(xrf1) =	vunique.msk.u32 $0xffff, v12  }
0x30: {  	[tilespmem:v10+s4+$0x0] =	vst.idx.add.s32.msk vm2, v14;
	_, v10, vm0 =	vpop (xrf1);
	(xrf1) =	vunique.msk.u32 $0xffff, v8;
	_ =	sdelay $0x2  }
0x31: {  	v11 =	vld [tilespmem:s7+$0xFFFFFFE0];
	_ =	sdelay $0x1  }
0x32: {  	v7 =	vld [tilespmem:s9+$0xFFFFFFF0]  }
0x33: {  	s8 =	simm.s32 $0xA;
	s9 =	simm.s32 $0x41A0;
	_, v14, vm2 =	vpop (xrf1)  }
.LBB2_1:
0x34: {  	v15 =	vld [tilespmem:s9+$0x0];
	s8 =	sadd.s32 $0x2, s8;
	v16 =	vmov v5  }
0x35: {  	p0 =	slt.u32 s8, $0x3E;
	(xrf1) =	vunique.msk.u32 $0xffff, v11;
	[tilespmem:v3+s4+$0x0] =	vst.idx.add.s32.msk vm1, v13;
	_, v17, vm3 =	vpop (xrf1);
	v3 =	vmov v6;
	v6 =	vmov v12  }
0x36: {  	v19 =	vmov v11;
	v18 =	vld [tilespmem:s5+$0x10]  }
.Ltmp0:
0x37: {  	_, v13, vm1 =	vpop (xrf1);
	(xrf1) =	vunique.msk.u32 $0xffff, v7;
	[tilespmem:v0+s4+$0x0] =	vst.idx.add.s32.msk vm0, v10;
	v0 =	vmov v2;
	v2 =	vmov v8;
	(pc) =	sbr.rel @p0 .LBB2_1-.Ltmp0, $4  }
0x38: {  	v5 =	vmov v7;
	v11 =	vld [tilespmem:s9+$0xFFFFFFE0]  }
0x39: {  	(xrf1) =	vunique.msk.u32 $0xffff, v15;
	[tilespmem:v4+s4+$0x0] =	vst.idx.add.s32.msk vm2, v14;
	_, v10, vm0 =	vpop (xrf1);
	v12 =	vmov v15;
	v4 =	vmov v9  }
0x3a: {  	v9 =	vmov v19;
	v7 =	vld [tilespmem:s5+$0xFFFFFFF0];
	s5 =	smov.u32 s6;
	s6 =	smov.u32 s7;
	s7 =	smov.u32 s9  }
0x3b: {  	s9 =	sadd.s32 $0x40, s9;
	_, v14, vm2 =	vpop (xrf1);
	(xrf1) =	vunique.msk.u32 $0xffff, v18;
	[tilespmem:v1+s4+$0x0] =	vst.idx.add.s32.msk vm3, v17;
	v8 =	vmov v18;
	v1 =	vmov v16  }
0x3c: {  	_ = 	snop  }
0x3d: {  	(xrf1) =	vunique.msk.u32 $0xffff, v11;
	_ =	sdelay $0x6  }
0x3e: {  	_, v15, vm3 =	vpop (xrf1)  }
0x3f: {  	_, v16, vm4 =	vpop (xrf1)  }
0x40: {  	_, v17, vm5 =	vpop (xrf1)  }
0x41: {  	[tilespmem:v3+s4+$0x0] =	vst.idx.add.s32.msk vm1, v13;
	_, v18, vm6 =	vpop (xrf1)  }
0x42: {  	[tilespmem:v4+s4+$0x0] =	vst.idx.add.s32.msk vm2, v14;
	_, v19, vm7 =	vpop (xrf1)  }
0x43: {  	v52 =	vld [tilespmem:s5+$0x10];
	_, v20, vm8 =	vpop (xrf1)  }
0x44: {  	v53 =	vld [tilespmem:s5+$0xFFFFFFF0];
	_, v3, vm1 =	vpop (xrf1)  }
0x45: {  	[tilespmem:v6+s4+$0x0] =	vst.idx.add.s32.msk vm4, v16;
	_, v4, vm2 =	vpop (xrf1)  }
0x46: {  	v54 =	vld [tilespmem:s6+$0x10]  }
0x47: {  	[tilespmem:v9+s4+$0x0] =	vst.idx.add.s32.msk vm6, v18  }
0x48: {  	v55 =	vld [tilespmem:s6+$0xFFFFFFF0]  }
0x49: {  	[tilespmem:v12+s4+$0x0] =	vst.idx.add.s32.msk vm8, v20  }
0x4a: {  	v56 =	vld [tilespmem:s7+$0x10]  }
0x4b: {  	(xrf1) =	vunique.msk.u32 $0xffff, v7;
	[tilespmem:v11+s4+$0x0] =	vst.idx.add.s32.msk vm2, v4  }
0x4c: {  	(xrf1) =	vunique.msk.u32 $0xffff, v52;
	v4 =	vld [tilespmem:s7+$0xFFFFFFF0]  }
0x4d: {  	(xrf1) =	vunique.msk.u32 $0xffff, v53  }
0x4e: {  	(xrf1) =	vunique.msk.u32 $0xffff, v54  }
0x4f: {  	(xrf1) =	vunique.msk.u32 $0xffff, v55  }
0x50: {  	(xrf1) =	vunique.msk.u32 $0xffff, v56  }
0x51: {  	(xrf1) =	vunique.msk.u32 $0xffff, v4;
	_ =	sdelay $0x7  }
0x52: {  	_, v11, vm2 =	vpop (xrf1)  }
0x53: {  	[tilespmem:v0+s4+$0x0] =	vst.idx.add.s32.msk vm0, v10;
	_, v0, vm0 =	vpop (xrf1)  }
0x54: {  	[tilespmem:v1+s4+$0x0] =	vst.idx.add.s32.msk vm3, v15;
	_, v1, vm3 =	vpop (xrf1)  }
0x55: {  	[tilespmem:v2+s4+$0x0] =	vst.idx.add.s32.msk vm5, v17;
	_, v2, vm13 =	vpop (xrf1)  }
0x56: {  	[tilespmem:v5+s4+$0x0] =	vst.idx.add.s32.msk vm7, v19;
	_, v57, vm14 =	vpop (xrf1)  }
0x57: {  	[tilespmem:v8+s4+$0x0] =	vst.idx.add.s32.msk vm1, v3;
	_, v3, vm1 =	vpop (xrf1)  }
0x58: {  	[tilespmem:v7+s4+$0x0] =	vst.idx.add.s32.msk vm2, v11;
	_, v7, vm2 =	vpop (xrf1)  }
0x59: {  	[tilespmem:v52+s4+$0x0] =	vst.idx.add.s32.msk vm0, v0  }
0x5a: {  	[tilespmem:v53+s4+$0x0] =	vst.idx.add.s32.msk vm3, v1  }
0x5b: {  	[tilespmem:v54+s4+$0x0] =	vst.idx.add.s32.msk vm13, v2  }
0x5c: {  	[tilespmem:v55+s4+$0x0] =	vst.idx.add.s32.msk vm14, v57  }
0x5d: {  	s9 =	sshll.u32 s15, $0x4;
	[tilespmem:v56+s4+$0x0] =	vst.idx.add.s32.msk vm1, v3  }
0x5e: {  	s23 =	simm.s32 $0x5400;
	s24 =	simm.s32 $0x2;
	s22 =	sadd.s32 s9, s3;
	[tilespmem:v4+s4+$0x0] =	vst.idx.add.s32.msk vm2, v7  }
0x5f: {  	[spmem:s22] =	stream.linear.scatter [tilespmem:s23], [sflag:$0x2], $0x10, $0x38;
	[tilespmem:$0x5720] =	vst v63  }
0x60: {  	_ =	swait.ge [sflag:s24], $0x10  }
0x61: {  	[sflag:s24] =	ssyncset.done $0x0  }
0x62: {  	[sflag:s24] =	ssyncadd.s32 $0xFFFFFFF0  }
0x63: {  	s25 =	simm.s32 $0x5480;
	[bflag:$0x0] =	sbarrier.arrive $0xFFFF  }
0x64: {  	[tilespmem:s25], [sflag:$0x2] =	stream.linear.gather [spmem:s3], $0x100, $0x38;
	[tilespmem:$0x5720] =	vst v63  }
0x65: {  	_ =	swait.ge [sflag:s24], $0x100  }
0x66: {  	[sflag:s24] =	ssyncset.done $0x0  }
0x67: {  	[sflag:s24] =	ssyncadd.s32 $0xFFFFFF00  }
0x68: {  	v0 =	vld [tilespmem:$0x5480]  }
0x69: {  	v1 =	vld [tilespmem:$0x5490]  }
0x6a: {  	v2 =	vld [tilespmem:$0x54A0]  }
0x6b: {  	v3 =	vld [tilespmem:$0x54B0]  }
0x6c: {  	v58 =	vld [tilespmem:$0x54C0]  }
0x6d: {  	v59 =	vld [tilespmem:$0x54D0]  }
0x6e: {  	v0 =	vadd.s32 v0, v1;
	v1 =	vld [tilespmem:$0x54E0]  }
0x6f: {  	v0 =	vadd.s32 v2, v0;
	v2 =	vld [tilespmem:$0x54F0]  }
0x70: {  	v0 =	vadd.s32 v3, v0;
	v3 =	vld [tilespmem:$0x5500]  }
0x71: {  	v60 =	vld [tilespmem:$0x5510];
	v0 =	vadd.s32 v58, v0  }
0x72: {  	v61 =	vld [tilespmem:$0x5520];
	v0 =	vadd.s32 v59, v0  }
0x73: {  	v0 =	vadd.s32 v1, v0;
	v1 =	vld [tilespmem:$0x5530]  }
0x74: {  	v0 =	vadd.s32 v2, v0;
	v2 =	vld [tilespmem:$0x5540]  }
0x75: {  	v0 =	vadd.s32 v3, v0;
	v3 =	vld [tilespmem:$0x5550]  }
0x76: {  	v62 =	vld [tilespmem:$0x5560];
	v0 =	vadd.s32 v60, v0  }
0x77: {  	v63 =	vld [tilespmem:$0x5570];
	v0 =	vadd.s32 v61, v0  }
0x78: {  	v0 =	vadd.s32 v1, v0  }
0x79: {  	v0 =	vadd.s32 v2, v0  }
0x7a: {  	v0 =	vadd.s32 v3, v0  }
0x7b: {  	v0 =	vadd.s32 v62, v0  }
0x7c: {  	v0 =	vadd.s32 v63, v0  }
0x7d: {  	(xrf0) =	vadd.scan.msk.s32 $0xffff, v0;
	_ =	sdelay $0x5  }
0x7e: {  	v1 =	vmov s15;
	v2 =	vlaneseq.u32;
	v3, _, _ =	vpop (xrf0)  }
0x7f: {  	vm15 =	veq.s32 v1, v2;
	v2 =	vsub.s32 v3, v0  }
0x80: {  	v2 =	vnsel vm15, $0x0, v2  }
0x81: {  	(xrf0) =	vadd.scan.msk.s32 $0xffff, v2;
	_ =	sdelay $0x5  }
0x82: {  	v2, _, _ =	vpop (xrf0)  }
0x83: {  	(v2sf) =	vpush v2, $0xF;
	_ =	sdelay $0xe  }
0x84: {  	s4 =	spop (v2sf)  }
0x85: {  	s3 =	sand.u32 $0xFFFFFFF8, s4  }
0x86: {  	p0 =	slt.s32 s3, $0x7000  }
0x87: {  	s3 =	simm.s32 @!p0 $0x7000  }
0x88: {  	s26 =	sshrl.u32 s3, $0x3  }
0x89: {  	s28 =	simm.s32 $0x0;
	s29 =	simm.s32 $0x3000;
	s2 =	sadd.s32 s2, s26  }
0x8a: {  	[tilespmem:s29], [sflag:$0x1] =	stream.linear.gather [hbm4b:s2+s28], $0x1000, $0x38;
	[tilespmem:$0x5720] =	vst v63  }
0x8b: {  	s30 =	simm.s32 $0x2000;
	s1 =	sadd.s32 s1, s26  }
0x8c: {  	[tilespmem:s30], [sflag:$0x1] =	stream.linear.gather [hbm4b:s1+s28], $0x1000, $0x38;
	[tilespmem:$0x5720] =	vst v63  }
0x8d: {  	s31 =	simm.s32 $0x4000;
	s0 =	sadd.s32 s0, s26  }
0x8e: {  	[tilespmem:s31], [sflag:$0x1] =	stream.linear.gather [hbm4b:s0+s28], $0x1000, $0x38;
	[tilespmem:$0x5720] =	vst v63  }
0x8f: {  	v2 =	vimm.s32 $0x0;
	s1 =	simm.s32 $0x0;
	s0 =	simm.s32 $0x40  }
.LBB2_3:
0x90: {  	p0 =	sne.s32 s0, $0xFC0;
	[tilespmem:s1+$0x5000] =	vst v2;
	s1 =	smov.u32 s0;
	s0 =	sadd.s32 $0x40, s0  }
.Ltmp1:
0x91: {  	(pc) =	sbr.rel @p0 .LBB2_3-.Ltmp1, $2  }
0x92: {  	_ =	sdelay $0x2  }
0x93: {  	s1 =	sshra.s32 s1, $0x2  }
0x94: {  	v3 =	vlaneseq.u32  }
0x95: {  	vm0 =	veq.s32 v1, v3  }
0x96: {  	v0 =	vnsel vm0, $0x0, v0  }
0x97: {  	(xrf0) =	vadd.scan.msk.s32 $0xffff, v0;
	_ =	sdelay $0x5  }
0x98: {  	v0, _, _ =	vpop (xrf0)  }
0x99: {  	(v2sf) =	vpush v0, $0xF;
	_ =	sdelay $0xe  }
0x9a: {  	s0 =	spop (v2sf)  }
0x9b: {  	s0 =	sadd.s32 s4, s0  }
0x9c: {  	s0 =	ssub.s32 s0, s3  }
0x9d: {  	[tilespmem:s1+$0x5000] =	vst v2;
	s31 =	simm.s32 $0x1;
	s0 =	sadd.s32 $0x1F, s0  }
0x9e: {  	_ =	swait.ge [sflag:s31], $0x1000;
	s5 =	sshra.s32 s0, $0x5;
	s0 =	sshrl.u32 s0, $0x1F  }
0x9f: {  	[sflag:s31] =	ssyncset.done $0x0;
	s0 =	sadd.s32 s0, s5  }
0xa0: {  	[sflag:s31] =	ssyncadd.s32 $0xFFFFF000;
	s4 =	sand.u32 $0xFFFFFFFE, s0  }
0xa1: {  	_ =	swait.ge [sflag:s31], $0x1000;
	p0 =	slt.s32 s4, $0x1  }
.Ltmp2:
0xa2: {  	[sflag:s31] =	ssyncset.done $0x0;
	(pc) =	sbr.rel @p0 .LBB2_5-.Ltmp2, $4  }
0xa3: {  	[sflag:s31] =	ssyncadd.s32 $0xFFFFF000  }
0xa4: {  	_ =	swait.ge [sflag:s31], $0x1000  }
0xa5: {  	[sflag:s31] =	ssyncset.done $0x0  }
0xa6: {  	s3 =	ssub.s32 s5, s4;
	[sflag:s31] =	ssyncadd.s32 $0xFFFFF000  }
0xa7: {  	s2 =	simm.s32 $0x4020  }
0xa8: {  	s1 =	simm.s32 $0x3020;
	v2 =	vld [tilespmem:s2+$0xFFFFFFE0]  }
0xa9: {  	v3 =	vld [tilespmem:s1+$0xFFFFFFE0]  }
0xaa: {  	v4 =	vld [tilespmem:s1+$0x0]  }
0xab: {  	v6 =	vld [tilespmem:s2+$0x0];
	_ =	sdelay $0x2  }
0xac: {  	v3 =	vsub.s32 $0x3F7FFFFF, v3  }
0xad: {  	p6 =	sgt.s32 s4, $0x2;
	vm1 =	veq.s32 v2, v1;
	v2 =	vshrl.u32 v3, $0x14;
	v3 =	vsub.s32 $0x3F7FFFFF, v4  }
.Ltmp3:
0xae: {  	s18 =	simm.s32 $0x20;
	vm0 =	veq.s32 v6, v1;
	v5 =	vnsel vm1, $0x3FF, v2;
	v2 =	vshrl.u32 v3, $0x14;
	(pc) =	sbr.rel @!p6 .LBB2_17-.Ltmp3, $4  }
0xaf: {  	s10 =	simm.s32 $0x2020;
	[tilespmem:s18+$0xFFFFFFE0] =	vst v5;
	v44 =	vnsel vm0, $0x3FF, v2  }
0xb0: {  	s16 =	simm.f32 $0.0e+00;
	s8 =	simm.s32 $0x5000;
	p1 =	por $0x0, $0x0;
	v19 =	vld [tilespmem:s10+$0xFFFFFFE0];
	[tilespmem:s18+$0x0] =	vst v44  }
0xb1: {  	p2 =	por $0x0, $0x0;
	p3 =	por $0x0, $0x0;
	v6 =	vld [tilespmem:s10+$0x0];
	[dreg:$0x7] =	wrdreg s9  }
0xb2: {  	p4 =	por $0x0, $0x0;
	p5 =	por $0x0, $0x0;
	(xrf1) =	vunique.msk.u32 $0xffff, v5;
	vm0 =	vmmov vm0;
	[dreg:$0x8] =	wrdreg s3  }
0xb3: {  	_ =	sdelay $0x4  }
0xb4: {  	v2 =	vmul.f32 $1.442695020e+00, v19;
	_ =	sdelay $0x1  }
0xb5: {  	(erf) = vpow2.f32 v2;
	_ =	sdelay $0x3  }
0xb6: {  	v2 =	vmul.f32 $1.442695020e+00, v6  }
0xb7: {  	s14 =	simm.s32 $0x3060  }
0xb8: {  	v4 =	vld [tilespmem:s14+$0xFFFFFFE0];
	(erf) = vpow2.f32 v2;
	_, v3, vm2 =	vpop (xrf1)  }
0xb9: {  	s15 =	simm.s32 $0x4060;
	v7 =	vld [tilespmem:s14+$0x0]  }
0xba: {  	v2 =	vld [tilespmem:s15+$0xFFFFFFE0]  }
0xbb: {  	v8 =	vld [tilespmem:s15+$0x0];
	v9 =	vpop (erf)  }
0xbc: {  	v10 =	vnsel vm1, $0x0, v9  }
0xbd: {  	[tilespmem:s10+$0xFFFFFFE0] =	vst v10  }
0xbe: {  	p6 =	sgt.s32 s4, $0x4;
	v4 =	vsub.s32 $0x3F7FFFFF, v4;
	[tilespmem:v5+s8+$0x0] =	vst.idx.add.s32.msk vm2, v3;
	v3 =	vsub.s32 $0x3F7FFFFF, v7  }
.Ltmp4:
0xbf: {  	v23 =	vnsel vm1, $0x0, v19;
	vm1 =	veq.s32 v2, v1;
	v2 =	vshrl.u32 v4, $0x14;
	(pc) =	sbr.rel @!p6 .LBB2_19-.Ltmp4, $4  }
0xc0: {  	s0 =	simm.s32 $0x60;
	v5 =	vnsel vm1, $0x3FF, v2;
	vm2 =	veq.s32 v8, v1;
	v34 =	vld [tilespmem:s1+$0xFFFFFFF0];
	v2 =	vshrl.u32 v3, $0x14  }
0xc1: {  	s12 =	simm.s32 $0x2060;
	v38 =	vld [tilespmem:s2+$0xFFFFFFF0];
	[tilespmem:s0+$0xFFFFFFE0] =	vst v5;
	v7 =	vnsel vm2, $0x3FF, v2;
	v3 =	vpop (erf)  }
0xc2: {  	v19 =	vld [tilespmem:s12+$0xFFFFFFE0];
	[tilespmem:s0+$0x0] =	vst v7;
	v18 =	vnsel vm0, $0x0, v3  }
0xc3: {  	p1 =	por $0x1, $0x1;
	v8 =	vnsel vm0, $0x0, v6;
	(xrf1) =	vunique.msk.u32 $0xffff, v5;
	vm0 =	vmmov vm2;
	v6 =	vld [tilespmem:s12+$0x0];
	[tilespmem:s10+$0x0] =	vst v18  }
0xc4: {  	_ =	sdelay $0x4  }
0xc5: {  	v4 =	vmul.f32 $1.442695020e+00, v19;
	_ =	sdelay $0x1  }
0xc6: {  	v2 =	vsub.s32 $0x3F7FFFFF, v34;
	(erf) = vpow2.f32 v4  }
0xc7: {  	vm3 =	veq.s32 v38, v1;
	v2 =	vshrl.u32 v2, $0x14  }
0xc8: {  	v3 =	vnsel vm3, $0x3FF, v2  }
0xc9: {  	(xrf1) =	vunique.msk.u32 $0xffff, v3  }
0xca: {  	s21 =	simm.s32 $0x30A0;
	(xrf1) =	vunique.msk.u32 $0xffff, v44  }
0xcb: {  	v9 =	vld [tilespmem:s21+$0xFFFFFFE0];
	v2 =	vmul.f32 $1.442695020e+00, v6  }
0xcc: {  	s20 =	simm.s32 $0x40A0;
	v12 =	vld [tilespmem:s21+$0x0];
	_, v4, vm2 =	vpop (xrf1)  }
0xcd: {  	(erf) = vpow2.f32 v2;
	v2 =	vld [tilespmem:s20+$0xFFFFFFE0];
	_ =	sdelay $0x1  }
0xce: {  	v11 =	vpop (erf)  }
0xcf: {  	v14 =	vld [tilespmem:s20+$0x0];
	[tilespmem:s18+$0xFFFFFFF0] =	vst v3;
	v13 =	vnsel vm1, $0x0, v11  }
0xd0: {  	v15 =	vld [tilespmem:s10+$0xFFFFFFF0];
	v9 =	vsub.s32 $0x3F7FFFFF, v9;
	v11 =	vnsel vm1, $0x0, v19;
	[tilespmem:s12+$0xFFFFFFE0] =	vst v13  }
0xd1: {  	vm1 =	veq.s32 v2, v1;
	v2 =	vshrl.u32 v9, $0x14;
	[tilespmem:v5+s8+$0x0] =	vst.idx.add.s32.msk vm2, v4;
	v4 =	vsub.s32 $0x3F7FFFFF, v12  }
0xd2: {  	p6 =	sgt.s32 s4, $0x6;
	v5 =	vnsel vm1, $0x3FF, v2;
	v2 =	vshrl.u32 v4, $0x14  }
.Ltmp5:
0xd3: {  	_ = 	snop;
	(pc) =	sbr.rel @!p6 .LBB2_21-.Ltmp5, $4  }
0xd4: {  	s23 =	simm.s32 $0xA0;
	vm4 =	veq.s32 v14, v1;
	v34 =	vld [tilespmem:s14+$0xFFFFFFF0]  }
0xd5: {  	s22 =	simm.s32 $0x20A0;
	(xrf2) =	vadd.scan.msk.f32 $0xffff, v23;
	vm6 =	vmmov vm3;
	v38 =	vld [tilespmem:s15+$0xFFFFFFF0];
	[tilespmem:s23+$0xFFFFFFE0] =	vst v5;
	v22 =	vnsel vm4, $0x3FF, v2;
	v4 =	vpop (erf)  }
0xd6: {  	v21 =	vnsel vm0, $0x0, v6;
	v28 =	vmul.f32 $1.442695020e+00, v15;
	v19 =	vld [tilespmem:s22+$0xFFFFFFE0];
	[tilespmem:s23+$0x0] =	vst v22;
	v17 =	vnsel vm0, $0x0, v4;
	_, v2, vm2 =	vpop (xrf1)  }
0xd7: {  	p2 =	por $0x1, $0x1;
	v37 =	vnsel vm3, $0x0, v15;
	(xrf1) =	vunique.msk.u32 $0xffff, v5;
	vm0 =	vmmov vm4;
	v6 =	vld [tilespmem:s22+$0x0];
	[tilespmem:s12+$0x0] =	vst v17;
	_, v45, vm10 =	vpop (xrf1)  }
0xd8: {  	_ =	sdelay $0x4  }
0xd9: {  	(erf) = vpow2.f32 v28;
	v9 =	vmul.f32 $1.442695020e+00, v19  }
0xda: {  	[tilespmem:v44+s8+$0x0] =	vst.idx.add.s32.msk vm10, v45;
	v14 =	vsub.s32 $0x3F7FFFFF, v34  }
0xdb: {  	v4 =	vld [tilespmem:s1+$0x10];
	vm4 =	veq.s32 v38, v1;
	v14 =	vshrl.u32 v14, $0x14;
	(erf) = vpow2.f32 v9  }
0xdc: {  	(xrf2) =	vadd.scan.msk.f32 $0xffff, v10;
	v12 =	vld [tilespmem:s2+$0x10];
	v14 =	vnsel vm4, $0x3FF, v14  }
0xdd: {  	(xrf1) =	vunique.msk.u32 $0xffff, v14  }
0xde: {  	s2 =	simm.s32 $0x40E0;
	(xrf1) =	vunique.msk.u32 $0xffff, v7;
	v9 =	vmul.f32 $1.442695020e+00, v6  }
0xdf: {  	(xrf2) =	vadd.scan.msk.f32 $0xffff, v18;
	s1 =	simm.s32 $0x30E0;
	v15 =	vld [tilespmem:s2+$0xFFFFFFE0]  }
0xe0: {  	v25 =	vld [tilespmem:s1+$0xFFFFFFE0];
	v4 =	vsub.s32 $0x3F7FFFFF, v4  }
0xe1: {  	v26 =	vld [tilespmem:s1+$0x0];
	vm3 =	veq.s32 v12, v1;
	v4 =	vshrl.u32 v4, $0x14;
	(erf) = vpow2.f32 v9;
	_, v16, vm5 =	vpop (xrf1)  }
0xe2: {  	v29 =	vld [tilespmem:s2+$0x0];
	[tilespmem:s0+$0xFFFFFFF0] =	vst v14;
	v4 =	vnsel vm3, $0x3FF, v4;
	v9 =	vpop (erf)  }
0xe3: {  	v10 =	vld [tilespmem:s12+$0xFFFFFFF0];
	[tilespmem:s18+$0x10] =	vst v4;
	v27 =	vnsel vm6, $0x0, v9  }
0xe4: {  	v23 =	vnsel vm1, $0x0, v19;
	v18 =	vld [tilespmem:s10+$0x10];
	[tilespmem:s10+$0xFFFFFFF0] =	vst v27;
	v9 =	vpop (erf)  }
0xe5: {  	v20 =	vnsel vm0, $0x0, v6;
	[tilespmem:v3+s8+$0x0] =	vst.idx.add.s32.msk vm2, v2;
	v2 =	vsub.s32 $0x3F7FFFFF, v25;
	v24 =	vnsel vm1, $0x0, v9  }
0xe6: {  	v6 =	vsub.s32 $0x3F7FFFFF, v26;
	v2 =	vshrl.u32 v2, $0x14;
	vm1 =	veq.s32 v15, v1;
	[tilespmem:s22+$0xFFFFFFE0] =	vst v24  }
0xe7: {  	p6 =	sgt.s32 s4, $0x8;
	v12, _, _ =	vpop (xrf2);
	(xrf2) =	vadd.scan.msk.f32 $0xffff, v11;
	[tilespmem:v5+s8+$0x0] =	vst.idx.add.s32.msk vm5, v16;
	v5 =	vnsel vm1, $0x3FF, v2;
	v2 =	vshrl.u32 v6, $0x14  }
.Ltmp6:
0xe8: {  	(xrf1) =	vunique.msk.u32 $0xffff, v4;
	v28 =	vmul.f32 $1.442695020e+00, v10;
	v3, _, _ =	vpop (xrf2);
	(pc) =	sbr.rel @!p6 .LBB2_23-.Ltmp6, $4  }
0xe9: {  	s6 =	simm.s32 $0x20E0;
	s18 =	simm.s32 $0xE0;
	v33 =	vnsel vm4, $0x0, v10;
	vm6 =	vmmov vm4;
	vm4 =	veq.s32 v29, v1;
	(xrf2) =	vadd.scan.msk.f32 $0xffff, v37;
	v16, _, _ =	vpop (xrf2);
	v34 =	vld [tilespmem:s21+$0xFFFFFFF0]  }
0xea: {  	(v2sf) =	vpush v3, $0xF;
	v10 =	vmul.f32 $1.442695020e+00, v18;
	v6 =	vpop (erf);
	v38 =	vld [tilespmem:s20+$0xFFFFFFF0];
	[tilespmem:s18+$0xFFFFFFE0] =	vst v5;
	v46 =	vnsel vm4, $0x3FF, v2  }
0xeb: {  	v9 =	vnsel vm3, $0x0, v18;
	(xrf2) =	vadd.scan.msk.f32 $0xffff, v27;
	v25 =	vnsel vm0, $0x0, v6;
	v19 =	vld [tilespmem:s6+$0xFFFFFFE0];
	[tilespmem:s18+$0x0] =	vst v46;
	_, v2, vm2 =	vpop (xrf1)  }
0xec: {  	p3 =	por $0x1, $0x1;
	(erf) = vpow2.f32 v10;
	(xrf1) =	vunique.msk.u32 $0xffff, v5;
	vm0 =	vmmov vm4;
	[tilespmem:s22+$0x0] =	vst v25;
	v6 =	vld [tilespmem:s6+$0x0];
	_, v45, vm10 =	vpop (xrf1)  }
0xed: {  	_ =	sdelay $0x4  }
0xee: {  	[tilespmem:v7+s8+$0x0] =	vst.idx.add.s32.msk vm10, v45  }
0xef: {  	v10 =	vld [tilespmem:s14+$0x10]  }
0xf0: {  	(erf) = vpow2.f32 v28;
	_ =	sdelay $0x1  }
0xf1: {  	v3 =	vsub.s32 $0x3F7FFFFF, v34;
	v15 =	vld [tilespmem:s15+$0x10];
	v7 =	vmul.f32 $1.442695020e+00, v19  }
0xf2: {  	(xrf2) =	vadd.scan.msk.f32 $0xffff, v13;
	vm4 =	veq.s32 v38, v1;
	v3 =	vshrl.u32 v3, $0x14  }
0xf3: {  	(xrf2) =	vadd.scan.msk.f32 $0xffff, v17;
	v11 =	vnsel vm4, $0x3FF, v3;
	(erf) = vpow2.f32 v7;
	v7 =	vsub.s32 $0x3F7FFFFF, v10  }
0xf4: {  	(xrf1) =	vunique.msk.u32 $0xffff, v11;
	v10 =	vmul.f32 $1.442695020e+00, v6;
	v7 =	vshrl.u32 v7, $0x14  }
0xf5: {  	s15 =	simm.s32 $0x4120;
	v26, _, _ =	vpop (xrf2);
	(xrf1) =	vunique.msk.u32 $0xffff, v22  }
0xf6: {  	s14 =	simm.s32 $0x3120;
	v18 =	vld [tilespmem:s15+$0xFFFFFFE0];
	(xrf2) =	vadd.scan.msk.f32 $0xffff, v8;
	vm5 =	veq.s32 v15, v1;
	_, v3, vm7 =	vpop (xrf1)  }
0xf7: {  	v32 =	vld [tilespmem:s14+$0xFFFFFFE0];
	v13 =	vnsel vm5, $0x3FF, v7;
	v7 =	vpop (erf)  }
0xf8: {  	v63 =	vld [tilespmem:s14+$0x0];
	[tilespmem:s23+$0xFFFFFFF0] =	vst v11;
	(erf) = vpow2.f32 v10;
	v10 =	vpop (erf)  }
0xf9: {  	v17 =	vld [tilespmem:s22+$0xFFFFFFF0];
	[tilespmem:s0+$0x10] =	vst v13;
	v30 =	vnsel vm3, $0x0, v7;
	_, v7, vm9 =	vpop (xrf1)  }
0xfa: {  	v55 =	vnsel vm1, $0x0, v19;
	v19 =	vld [tilespmem:s15+$0x0];
	v29, _, _ =	vpop (xrf2);
	[tilespmem:s10+$0x10] =	vst v30;
	v35 =	vnsel vm6, $0x0, v10  }
0xfb: {  	(xrf2) =	vadd.scan.msk.f32 $0xffff, v23;
	v15 =	vnsel vm0, $0x0, v6;
	v6, _, _ =	vpop (xrf2);
	v28 =	vld [tilespmem:s12+$0x10];
	[tilespmem:s12+$0xFFFFFFF0] =	vst v35  }
0xfc: {  	vm8 =	vmmov vm4;
	(xrf2) =	vadd.scan.msk.f32 $0xffff, v33;
	(v2sf) =	vpush v6, $0xF;
	v10 =	vpop (erf);
	[tilespmem:v14+s8+$0x0] =	vst.idx.add.s32.msk vm2, v2  }
0xfd: {  	p6 =	sgt.s32 s4, $0xA;
	(xrf1) =	vunique.msk.u32 $0xffff, v13;
	v6 =	vsub.s32 $0x3F7FFFFF, v63;
	v10 =	vnsel vm1, $0x0, v10;
	[tilespmem:v4+s8+$0x0] =	vst.idx.add.s32.msk vm7, v3  }
0xfe: {  	v31 =	vmul.f32 $1.442695020e+00, v17;
	v36 =	vnsel vm4, $0x0, v17;
	v2, _, _ =	vpop (xrf2);
	v3 =	vsub.s32 $0x3F7FFFFF, v32;
	[tilespmem:s6+$0xFFFFFFE0] =	vst v10  }
.Ltmp7:
0xff: {  	(v2sf) =	vpush v16, $0xF;
	v32, _, _ =	vpop (xrf2);
	vm1 =	veq.s32 v18, v1;
	v3 =	vshrl.u32 v3, $0x14;
	[tilespmem:v5+s8+$0x0] =	vst.idx.add.s32.msk vm9, v7;
	(pc) =	sbr.rel @!p6 .LBB2_25-.Ltmp7, $4  }
0x100: {  	s24 =	simm.s32 $0x2120;
	s0 =	simm.s32 $0x120;
	(xrf2) =	vadd.scan.msk.f32 $0xffff, v35;
	vm2 =	veq.s32 v19, v1;
	v33, _, _ =	vpop (xrf2);
	v5 =	vnsel vm1, $0x3FF, v3;
	v3 =	vshrl.u32 v6, $0x14;
	v34 =	vld [tilespmem:s1+$0xFFFFFFF0]  }
0x101: {  	s25 =	spop (v2sf);
	v17 =	vmul.f32 $1.442695020e+00, v28;
	(v2sf) =	vpush v2, $0xF;
	v6 =	vpop (erf);
	v38 =	vld [tilespmem:s2+$0xFFFFFFF0];
	[tilespmem:s0+$0xFFFFFFE0] =	vst v5;
	v7 =	vnsel vm2, $0x3FF, v3  }
0x102: {  	v27 =	vnsel vm5, $0x0, v28;
	(v2sf) =	vpush v12, $0xF;
	_, v14, vm4 =	vpop (xrf1);
	v18 =	vnsel vm0, $0x0, v6;
	v19 =	vld [tilespmem:s24+$0xFFFFFFE0];
	[tilespmem:s0+$0x0] =	vst v7  }
0x103: {  	p4 =	por $0x1, $0x1;
	_, v40, vm9 =	vpop (xrf1);
	(erf) = vpow2.f32 v17;
	(xrf1) =	vunique.msk.u32 $0xffff, v5;
	vm0 =	vmmov vm2;
	[tilespmem:s6+$0x0] =	vst v18;
	v6 =	vld [tilespmem:s24+$0x0]  }
0x104: {  	_ =	sdelay $0x3  }
0x105: {  	(xrf2) =	vadd.scan.msk.f32 $0xffff, v24  }
0x106: {  	[tilespmem:v22+s8+$0x0] =	vst.idx.add.s32.msk vm9, v40;
	v2 =	vsub.s32 $0x3F7FFFFF, v34  }
0x107: {  	(erf) = vpow2.f32 v31;
	v23 =	vld [tilespmem:s21+$0x10];
	vm2 =	veq.s32 v38, v1;
	v2 =	vshrl.u32 v2, $0x14  }
0x108: {  	(xrf2) =	vadd.scan.msk.f32 $0xffff, v25;
	v17 =	vmul.f32 $1.442695020e+00, v19;
	v3 =	vnsel vm2, $0x3FF, v2;
	v2 =	vld [tilespmem:s20+$0x10];
	_ =	sdelay $0x1  }
0x109: {  	v35, _, _ =	vpop (xrf2);
	(xrf2) =	vadd.scan.msk.f32 $0xffff, v30;
	(erf) = vpow2.f32 v17  }
0x10a: {  	v41, _, _ =	vpop (xrf2);
	(xrf1) =	vunique.msk.u32 $0xffff, v3  }
0x10b: {  	(v2sf) =	vpush v33, $0xF;
	(xrf1) =	vunique.msk.u32 $0xffff, v46;
	v17 =	vsub.s32 $0x3F7FFFFF, v23;
	v28, _, _ =	vpop (xrf2)  }
0x10c: {  	s13 =	simm.s32 $0x4160;
	v23 =	vmul.f32 $1.442695020e+00, v6;
	(xrf2) =	vadd.scan.msk.f32 $0xffff, v9;
	_, v58, vm10 =	vpop (xrf1);
	vm7 =	veq.s32 v2, v1;
	v2 =	vshrl.u32 v17, $0x14  }
0x10d: {  	s11 =	simm.s32 $0x3160;
	v45 =	vld [tilespmem:s13+$0xFFFFFFE0];
	v59 =	vpop (erf)  }
0x10e: {  	v60 =	vld [tilespmem:s11+$0xFFFFFFE0];
	(erf) = vpow2.f32 v23;
	v44, _, _ =	vpop (xrf2)  }
0x10f: {  	v48 =	vld [tilespmem:s11+$0x0];
	[tilespmem:s18+$0xFFFFFFF0] =	vst v3;
	v54 =	vnsel vm0, $0x0, v6;
	s3 =	spop (v2sf);
	(v2sf) =	vpush v28, $0xF;
	v17 =	vnsel vm7, $0x3FF, v2;
	v2 =	vpop (erf)  }
0x110: {  	v37 =	vld [tilespmem:s6+$0xFFFFFFF0];
	v23 =	vnsel vm1, $0x0, v19;
	v39 =	vnsel vm5, $0x0, v59;
	[tilespmem:s23+$0x10] =	vst v17;
	(xrf2) =	vadd.scan.msk.f32 $0xffff, v21;
	_, v19, vm11 =	vpop (xrf1)  }
0x111: {  	v49 =	vld [tilespmem:s13+$0x0];
	(v2sf) =	vpush v29, $0xF;
	[tilespmem:s12+$0x10] =	vst v39;
	(xrf1) =	vunique.msk.u32 $0xffff, v17;
	v42, _, _ =	vpop (xrf2);
	v6 =	vnsel vm8, $0x0, v2  }
0x112: {  	s7 =	spop (v2sf);
	(v2sf) =	vpush v32, $0xF;
	v47 =	vld [tilespmem:s22+$0x10];
	[tilespmem:s22+$0xFFFFFFF0] =	vst v6;
	v2 =	vpop (erf)  }
0x113: {  	[tilespmem:v13+s8+$0x0] =	vst.idx.add.s32.msk vm10, v58;
	v52 =	vnsel vm1, $0x0, v2;
	v2, _, _ =	vpop (xrf2);
	(xrf2) =	vadd.scan.msk.f32 $0xffff, v55  }
0x114: {  	vm6 =	vmmov vm2;
	[tilespmem:v11+s8+$0x0] =	vst.idx.add.s32.msk vm4, v14;
	(v2sf) =	vpush v2, $0xF  }
0x115: {  	v61 =	vsub.s32 $0x3F7FFFFF, v60;
	v28 =	vmul.f32 $1.442695020e+00, v37;
	s28 =	spop (v2sf);
	[tilespmem:s24+$0xFFFFFFE0] =	vst v52;
	(v2sf) =	vpush v44, $0xF  }
0x116: {  	p6 =	sgt.s32 s4, $0xC;
	v37 =	vnsel vm2, $0x0, v37;
	vm1 =	veq.s32 v45, v1;
	(xrf2) =	vadd.scan.msk.f32 $0xffff, v36;
	v63, _, _ =	vpop (xrf2);
	[tilespmem:v5+s8+$0x0] =	vst.idx.add.s32.msk vm11, v19  }
.Ltmp8:
0x117: {  	s9 =	sadd.f32 s25, s16;
	v43 =	vnsel vm7, $0x0, v47;
	v62 =	vpop (erf);
	v5 =	vshrl.u32 v61, $0x14;
	v19 =	vsub.s32 $0x3F7FFFFF, v48;
	v34 =	vld [tilespmem:s14+$0xFFFFFFF0];
	(pc) =	sbr.rel @!p6 .LBB2_38-.Ltmp8, $4  }
0x118: {  	s17 =	simm.s32 $0x160;
	_, v2, vm2 =	vpop (xrf1);
	vm11 =	veq.s32 v49, v1;
	v5 =	vnsel vm1, $0x3FF, v5;
	v19 =	vshrl.u32 v19, $0x14;
	v38 =	vld [tilespmem:s15+$0xFFFFFFF0]  }
0x119: {  	s16 =	simm.s32 $0x2160;
	p5 =	por $0x1, $0x1;
	s9 =	sadd.f32 s3, s9;
	v47 =	vmul.f32 $1.442695020e+00, v47;
	(xrf2) =	vadd.scan.msk.f32 $0xffff, v6;
	_, v45, vm10 =	vpop (xrf1);
	[tilespmem:s17+$0xFFFFFFE0] =	vst v5;
	v55 =	vnsel vm11, $0x3FF, v19  }
0x11a: {  	s26 =	simm.f32 $0.0e+00;
	s19 =	simm.s32 $0x20A0;
	s29 =	spop (v2sf);
	v56 =	vnsel vm0, $0x0, v62;
	(v2sf) =	vpush v63, $0xF;
	(xrf1) =	vunique.msk.u32 $0xffff, v5;
	v19 =	vld [tilespmem:s16+$0xFFFFFFE0];
	[tilespmem:s17+$0x0] =	vst v55  }
0x11b: {  	s3 =	simm.s32 $0xC;
	s30 =	sadd.f32 s7, s9;
	s31 =	spop (v2sf);
	(erf) = vpow2.f32 v47;
	[tilespmem:s24+$0x0] =	vst v56;
	(v2sf) =	vpush v26, $0xF;
	v49, _, _ =	vpop (xrf2);
	vm0 =	vmmov vm11;
	v6 =	vld [tilespmem:s16+$0x0]  }
0x11c: {  	v47 =	vmov v27;
	v48 =	vmov v20  }
.LBB2_28:
0x11d: {  	s3 =	sadd.s32 $0x2, s3;
	v34 =	vsub.s32 $0x3F7FFFFF, v34;
	(xrf2) =	vadd.scan.msk.f32 $0xffff, v10;
	v10 =	vmov v52  }
0x11e: {  	p6 =	slt.s32 s3, s4;
	vm11 =	veq.s32 v38, v1;
	v34 =	vshrl.u32 v34, $0x14;
	v44, _, _ =	vpop (xrf2)  }
0x11f: {  	v34 =	vnsel vm11, $0x3FF, v34;
	(erf) = vpow2.f32 v28  }
0x120: {  	s26 =	sadd.f32 s29, s26;
	v38 =	vnsel vm1, $0x0, v19;
	v19 =	vmul.f32 $1.442695020e+00, v19;
	[tilespmem:v46+s8+$0x0] =	vst.idx.add.s32.msk vm10, v45;
	(xrf2) =	vadd.scan.msk.f32 $0xffff, v18;
	_, v45, vm10 =	vpop (xrf1);
	s9 =	spop (v2sf)  }
0x121: {  	v46 =	vmov v7;
	v28 =	vmul.f32 $1.442695020e+00, v6;
	[tilespmem:s0+$0xFFFFFFF0] =	vst v34;
	(xrf1) =	vunique.msk.u32 $0xffff, v34;
	v50 =	vld [tilespmem:s1+$0x10];
	v51, _, _ =	vpop (xrf2);
	s29 =	spop (v2sf);
	s1 =	smov.u32 s14;
	s14 =	smov.u32 s11  }
0x122: {  	v7 =	vmovc v55;
	v18 =	vmov v56;
	v6 =	vnsel vm0, $0x0, v6;
	(erf) = vpow2.f32 v19;
	v19 =	vld [tilespmem:s2+$0x10];
	s7 =	spop (v2sf);
	s26 =	sadd.f32 s29, s26;
	s2 =	smov.u32 s15  }
0x123: {  	s15 =	smov.u32 s13;
	v52 =	vld [tilespmem:s24+$0xFFFFFFF0];
	(xrf2) =	vadd.scan.msk.f32 $0xffff, v39  }
0x124: {  	(xrf1) =	vunique.msk.u32 $0xffff, v46;
	v53, _, _ =	vpop (xrf2);
	s26 =	sadd.f32 s31, s26;
	s29 =	spop (v2sf)  }
0x125: {  	s31 =	spop (v2sf);
	v39 =	vpop (erf);
	s29 =	sadd.f32 s29, s30  }
0x126: {  	v55 =	vsub.s32 $0x3F7FFFFF, v50;
	v39 =	vnsel vm7, $0x0, v39;
	(v2sf) =	vpush v49, $0xF  }
0x127: {  	(erf) = vpow2.f32 v28;
	vm7 =	veq.s32 v19, v1;
	v19 =	vshrl.u32 v55, $0x14;
	v49, _, _ =	vpop (xrf2);
	s29 =	sadd.f32 s28, s29;
	(xrf2) =	vadd.scan.msk.f32 $0xffff, v47;
	s28 =	smov.u32 s31  }
0x128: {  	s13 =	sadd.s32 $0x40, s13;
	v47 =	vmov v43;
	v28 =	vmul.f32 $1.442695020e+00, v52;
	v19 =	vnsel vm7, $0x3FF, v19;
	v50 =	vpop (erf);
	[tilespmem:s19+$0x10] =	vst v39;
	s19 =	smov.u32 s6;
	s6 =	smov.u32 s24  }
0x129: {  	s11 =	sadd.s32 $0x40, s11;
	v57 =	vnsel vm11, $0x0, v52;
	v55 =	vld [tilespmem:s13+$0xFFFFFFE0];
	_, v56, vm12 =	vpop (xrf1);
	[tilespmem:s18+$0x10] =	vst v19;
	s9 =	sadd.f32 s9, s29;
	s18 =	smov.u32 s0  }
0x12a: {  	s24 =	smov.u32 s16;
	v50 =	vnsel vm6, $0x0, v50;
	s0 =	smov.u32 s17;
	v58 =	vld [tilespmem:s19+$0x10];
	v43, _, _ =	vpop (xrf2);
	(v2sf) =	vpush v53, $0xF;
	(xrf2) =	vadd.scan.msk.f32 $0xffff, v48;
	s30 =	spop (v2sf);
	v48 =	vmov v15  }
0x12b: {  	v53 =	vld [tilespmem:s11+$0xFFFFFFE0];
	v15 =	vpop (erf);
	[tilespmem:s19+$0xFFFFFFF0] =	vst v50;
	(xrf1) =	vunique.msk.u32 $0xffff, v19;
	s29 =	spop (v2sf);
	(v2sf) =	vpush v41, $0xF;
	s26 =	sadd.f32 s30, s26;
	v41 =	vmov v51  }
0x12c: {  	s30 =	sadd.f32 s7, s9;
	v51 =	vld [tilespmem:s11+$0x0];
	v52 =	vnsel vm1, $0x0, v15;
	(v2sf) =	vpush v42, $0xF;
	v15 =	vmovc v54;
	v54 =	vmovc v6;
	v42 =	vmov v43  }
0x12d: {  	vm6 =	vmmov vm11;
	v6 =	vld [tilespmem:s13+$0x0];
	[tilespmem:s16+$0xFFFFFFE0] =	vst v52;
	(xrf2) =	vadd.scan.msk.f32 $0xffff, v23;
	v43, _, _ =	vpop (xrf2);
	v23 =	vmov v38  }
0x12e: {  	[tilespmem:v3+s8+$0x0] =	vst.idx.add.s32.msk vm2, v2;
	(v2sf) =	vpush v43, $0xF;
	v3 =	vmov v34  }
0x12f: {  	_, v2, vm2 =	vpop (xrf1);
	v43 =	vnsel vm7, $0x0, v58;
	v58 =	vmul.f32 $1.442695020e+00, v58;
	(v2sf) =	vpush v49, $0xF;
	[tilespmem:v17+s8+$0x0] =	vst.idx.add.s32.msk vm10, v45  }
0x130: {  	vm1 =	veq.s32 v55, v1;
	v38 =	vsub.s32 $0x3F7FFFFF, v53;
	[tilespmem:v5+s8+$0x0] =	vst.idx.add.s32.msk vm12, v56;
	v49 =	vpop (erf);
	(xrf2) =	vadd.scan.msk.f32 $0xffff, v37  }
.Ltmp9:
0x131: {  	s17 =	sadd.s32 $0x40, s17;
	v17 =	vmov v19;
	v5 =	vshrl.u32 v38, $0x14;
	v53 =	vsub.s32 $0x3F7FFFFF, v51;
	v34 =	vld [tilespmem:s14+$0xFFFFFFF0];
	v51, _, _ =	vpop (xrf2);
	(pc) =	sbr.rel @p6 .LBB2_28-.Ltmp9, $4  }
0x132: {  	s16 =	sadd.s32 $0x40, s16;
	v5 =	vnsel vm1, $0x3FF, v5;
	vm11 =	veq.s32 v6, v1;
	v6 =	vshrl.u32 v53, $0x14;
	v38 =	vld [tilespmem:s15+$0xFFFFFFF0];
	_, v45, vm10 =	vpop (xrf1)  }
0x133: {  	v37 =	vmovc v57;
	v56 =	vnsel vm0, $0x0, v49;
	[tilespmem:s17+$0xFFFFFFE0] =	vst v5;
	v55 =	vnsel vm11, $0x3FF, v6;
	(xrf2) =	vadd.scan.msk.f32 $0xffff, v50  }
0x134: {  	vm0 =	vmmov vm11;
	v19 =	vld [tilespmem:s16+$0xFFFFFFE0];
	[tilespmem:s17+$0x0] =	vst v55;
	(xrf1) =	vunique.msk.u32 $0xffff, v5;
	v49, _, _ =	vpop (xrf2);
	(v2sf) =	vpush v51, $0xF  }
0x135: {  	v6 =	vld [tilespmem:s16+$0x0];
	[tilespmem:s24+$0x0] =	vst v56;
	(erf) = vpow2.f32 v58;
	(v2sf) =	vpush v35, $0xF;
	s31 =	spop (v2sf);
	v35 =	vmov v44  }
0x136: {  	s3 =	smov.u32 s1;
	s9 =	smov.u32 s2  }
0x137: {  	s1 =	smov.u32 s14;
	s2 =	smov.u32 s15;
	s7 =	smov.u32 s6  }
0x138: {  	v50 =	vmovc v10;
	v51 =	vmov v18;
	v44 =	vmov v7;
	v53 =	vmov v15;
	s14 =	smov.u32 s11;
	s11 =	smov.u32 s0;
	s15 =	smov.u32 s13  }
0x139: {  	v10 =	vmovc v52;
	v52 =	vmovc v46;
	v7 =	vmov v55;
	v18 =	vmov v56;
	s0 =	smov.u32 s17;
	s6 =	smov.u32 s16;
	v15 =	vmov v54;
	s17 =	rddreg [dreg:$0x6]  }
.LBB2_30:
0x13a: {  	v46 =	vmul.f32 $1.442695020e+00, v19  }
0x13b: {  	(erf) = vpow2.f32 @p2 v28;
	v28 =	vsub.s32 @p1 $0x3F7FFFFF, v34  }
0x13c: {  	v28 =	vshrl.u32 @p1 v28, $0x14;
	(erf) = vpow2.f32 v46  }
0x13d: {  	vm14 =	veq.s32 @p1 v38, v1  }
0x13e: {  	v34 =	vnsel @p1 vm14, $0x3FF, v28  }
0x13f: {  	(xrf1) =	vunique.msk.u32 @p1 $0xffff, v34;
	v46 =	vmov @p1 v44  }
0x140: {  	_, v28, vm11 =	vpop @p3 (xrf1);
	(xrf1) =	vunique.msk.u32 @p1 $0xffff, v46;
	_ =	sdelay $0x1  }
0x141: {  	[tilespmem:v52+s8+$0x0] =	vst.idx.add.s32.msk @p2 vm10, v45;
	_, v61, vm12 =	vpop (xrf1)  }
0x142: {  	v45 =	vld @p2 [tilespmem:s3+$0x10];
	v54 =	vpop @p3 (erf)  }
0x143: {  	v52 =	vpop @p2 (erf)  }
0x144: {  	v62 =	vpop (erf)  }
0x145: {  	v44 =	vnsel vm1, $0x0, v62  }
0x146: {  	v55 =	vld @p2 [tilespmem:s9+$0x10];
	[tilespmem:s6+$0xFFFFFFE0] =	vst v44  }
0x147: {  	[tilespmem:v5+s8+$0x0] =	vst.idx.add.s32.msk vm12, v61;
	v5 =	vsub.s32 @p2 $0x3F7FFFFF, v45  }
0x148: {  	v5 =	vshrl.u32 @p2 v5, $0x14  }
0x149: {  	(xrf2) =	vadd.scan.msk.f32 @p2 $0xffff, v50;
	v56 =	vld [tilespmem:s14+$0xFFFFFFF0]  }
0x14a: {  	(xrf2) =	vadd.scan.msk.f32 @p2 $0xffff, v51;
	v63 =	vld [tilespmem:s15+$0xFFFFFFF0]  }
0x14b: {  	v51 =	vmul.f32 $1.442695020e+00, v6;
	(xrf2) =	vadd.scan.msk.f32 @p4 $0xffff, v39;
	vm13 =	veq.s32 @p2 v55, v1  }
0x14c: {  	(xrf2) =	vadd.scan.msk.f32 @p4 $0xffff, v47;
	v38 =	vnsel @p2 vm13, $0x3FF, v5;
	_, v5, vm10 =	vpop @p1 (xrf1)  }
0x14d: {  	s3 =	smov.u32 @p2 s7;
	(erf) = vpow2.f32 v51;
	(xrf2) =	vadd.scan.msk.f32 @p3 $0xffff, v48;
	[tilespmem:s18+$0x10] =	vst @p2 v38;
	_, v48, vm15 =	vpop @p1 (xrf1)  }
0x14e: {  	[tilespmem:s11+$0xFFFFFFF0] =	vst @p1 v34;
	v45 =	vld @p2 [tilespmem:s3+$0x10];
	v55 =	vsub.s32 $0x3F7FFFFF, v56;
	vm9 =	vmmov @p1 vm15  }
0x14f: {  	v47 =	vld @p1 [tilespmem:s24+$0xFFFFFFF0];
	(xrf2) =	vadd.scan.msk.f32 @p1 $0xffff, v23;
	v22 =	vpsel p1, v46, v22;
	vm12 =	veq.s32 v63, v1;
	v56 =	vshrl.u32 v55, $0x14  }
0x150: {  	(xrf1) =	vunique.msk.u32 @p2 $0xffff, v38;
	v23 =	vnsel vm12, $0x3FF, v56  }
0x151: {  	(xrf1) =	vunique.msk.u32 $0xffff, v23  }
0x152: {  	(xrf1) =	vunique.msk.u32 $0xffff, v7  }
0x153: {  	v39, _, _ =	vpop @p2 (xrf2);
	(xrf2) =	vadd.scan.msk.f32 @p2 $0xffff, v37;
	v40 =	vpsel p1, v48, v40;
	v50 =	vmul.f32 @p2 $1.442695020e+00, v45  }
0x154: {  	s21 =	smov.u32 @p1 s1;
	v46, _, _ =	vpop @p3 (xrf2);
	v48 =	vmul.f32 @p1 $1.442695020e+00, v47;
	[tilespmem:v22+s8+$0x0] =	vst.idx.add.s32.msk @p1 vm9, v40  }
0x155: {  	v37, _, _ =	vpop @p3 (xrf2);
	v51 =	vld @p1 [tilespmem:s21+$0x10]  }
0x156: {  	s1 =	smov.u32 @p1 s2;
	v57 =	vpop (erf);
	(erf) = vpow2.f32 @p2 v50;
	v22 =	vpsel p1, v48, v31  }
0x157: {  	s20 =	smov.u32 @p1 s1;
	v50, _, _ =	vpop @p2 (xrf2);
	(erf) = vpow2.f32 @p1 v22;
	v22 =	vnsel @p2 vm6, $0x0, v52  }
0x158: {  	(v2sf) =	vpush @p4 v49, $0xF;
	v10 =	vpsel p1, v10, v24;
	v40, _, _ =	vpop @p2 (xrf2);
	v49 =	vld @p1 [tilespmem:s20+$0x10];
	(xrf2) =	vadd.scan.msk.f32 @p2 $0xffff, v22  }
0x159: {  	v18 =	vpsel p1, v18, v25;
	(v2sf) =	vpush @p3 v37, $0xF;
	v55, _, _ =	vpop @p4 (xrf2);
	(xrf2) =	vadd.scan.msk.f32 @p1 $0xffff, v10  }
0x15a: {  	(v2sf) =	vpush @p4 v41, $0xF;
	v37, _, _ =	vpop @p4 (xrf2);
	(xrf2) =	vadd.scan.msk.f32 @p1 $0xffff, v18;
	v18 =	vsub.s32 @p1 $0x3F7FFFFF, v51  }
0x15b: {  	v24 =	vnsel @p3 vm7, $0x0, v54;
	(v2sf) =	vpush @p3 v42, $0xF;
	v41, _, _ =	vpop @p3 (xrf2);
	v18 =	vshrl.u32 @p1 v18, $0x14  }
0x15c: {  	s2 =	spop @p4 (v2sf);
	s1 =	smov.u32 @p1 s24;
	v25 =	vpsel p3, v24, v30;
	(v2sf) =	vpush @p4 v55, $0xF;
	v31, _, _ =	vpop @p1 (xrf2)  }
0x15d: {  	s7 =	spop @p5 (v2sf);
	s22 =	smov.u32 @p1 s1;
	s1 =	smov.u32 @p1 s11;
	v30 =	vmov @p3 v43;
	v42, _, _ =	vpop @p2 (xrf2);
	(xrf2) =	vadd.scan.msk.f32 @p3 $0xffff, v25;
	vm9 =	veq.s32 @p1 v49, v1  }
0x15e: {  	s9 =	spop @p4 (v2sf);
	s23 =	smov.u32 @p1 s1;
	v30 =	vpsel p3, v30, v9;
	_, v10, vm6 =	vpop @p2 (xrf1);
	v25 =	vnsel @p1 vm9, $0x3FF, v18  }
0x15f: {  	v58 =	vnsel vm1, $0x0, v19;
	s11 =	sadd.f32 @p5 s29, s26;
	s13 =	spop @p5 (v2sf);
	s1 =	smov.u32 @p1 s22;
	v43 =	vmov @p2 v53;
	(xrf2) =	vadd.scan.msk.f32 @p3 $0xffff, v30;
	[tilespmem:s23+$0x10] =	vst @p1 v25;
	_, v18, vm7 =	vpop (xrf1)  }
0x160: {  	s13 =	sadd.f32 @p5 s13, s30;
	v21 =	vpsel p2, v43, v21;
	v43 =	vnsel @p1 vm14, $0x0, v47;
	vm15 =	vmmov @p1 vm14;
	[tilespmem:s0+$0xFFFFFFF0] =	vst v23;
	v30 =	vld @p1 [tilespmem:s1+$0x10];
	_, v59, vm1 =	vpop (xrf1)  }
0x161: {  	s16 =	simm.f32 $0.0e+00;
	vm8 =	vmmov @p1 vm15;
	v60 =	vld [tilespmem:s6+$0xFFFFFFF0];
	v48 =	vnsel vm0, $0x0, v57;
	(v2sf) =	vpush @p2 v50, $0xF  }
0x162: {  	s7 =	sadd.f32 @p5 s7, s11;
	s16 =	smov.u32 @p5 s13;
	[tilespmem:s6+$0x0] =	vst v48;
	(v2sf) =	vpush @p4 v37, $0xF;
	v33 =	vpsel p3, v41, v33;
	v49 =	vpop @p2 (erf);
	(xrf2) =	vadd.scan.msk.f32 @p2 $0xffff, v21  }
0x163: {  	s11 =	sadd.f32 @p4 s28, s16;
	v37 =	vmov @p3 v46;
	(v2sf) =	vpush @p3 v35, $0xF;
	v35 =	vpsel p1, v43, v36;
	(xrf2) =	vadd.scan.msk.f32 $0xffff, v58;
	v50 =	vpop @p1 (erf)  }
0x164: {  	s13 =	spop @p3 (v2sf);
	s7 =	sadd.f32 @p5 s31, s7;
	v36 =	vmov @p2 v40;
	(v2sf) =	vpush @p3 v33, $0xF;
	(xrf2) =	vadd.scan.msk.f32 @p1 $0xffff, v35;
	v19 =	vnsel @p1 vm8, $0x0, v50;
	v40, _, _ =	vpop @p2 (xrf2)  }
0x165: {  	s2 =	sadd.f32 @p4 s2, s11;
	s11 =	spop @p5 (v2sf);
	v29 =	vpsel p3, v37, v29;
	v33, _, _ =	vpop @p1 (xrf2);
	(v2sf) =	vpush @p2 v40, $0xF;
	(xrf2) =	vadd.scan.msk.f32 @p1 $0xffff, v19;
	v35 =	vmul.f32 @p1 $1.442695020e+00, v30  }
0x166: {  	s16 =	spop @p4 (v2sf);
	s7 =	sadd.f32 @p5 s11, s7;
	v61 =	vmul.f32 $1.442695020e+00, v60;
	v32 =	vpsel p2, v36, v32;
	v37, _, _ =	vpop @p1 (xrf2);
	(v2sf) =	vpush @p3 v29, $0xF;
	[tilespmem:v7+s8+$0x0] =	vst.idx.add.s32.msk vm1, v59  }
0x167: {  	vm5 =	vmmov @p2 vm13;
	s11 =	simm.f32 $0.0e+00;
	s2 =	sadd.f32 @p4 s9, s2;
	s9 =	spop @p4 (v2sf);
	(v2sf) =	vpush @p2 v32, $0xF;
	(erf) = vpow2.f32 @p1 v35;
	v7, _, _ =	vpop @p3 (xrf2);
	v62 =	vld [tilespmem:s14+$0x10]  }
0x168: {  	s11 =	smov.u32 @p5 s7;
	s7 =	spop @p3 (v2sf);
	v21 =	vnsel @p2 vm5, $0x0, v49;
	(xrf2) =	vadd.scan.msk.f32 $0xffff, v44;
	(erf) = vpow2.f32 v61;
	(v2sf) =	vpush @p3 v7, $0xF;
	v63 =	vld [tilespmem:s15+$0x10]  }
0x169: {  	v29 =	vpsel p2, v21, v0;
	s15 =	spop @p4 (v2sf);
	v35, _, _ =	vpop @p3 (xrf2);
	(xrf2) =	vadd.scan.msk.f32 $0xffff, v48  }
0x16a: {  	v15 =	vpsel p1, v15, v20;
	v36 =	vnsel @p2 vm13, $0x0, v45;
	s14 =	smov.u32 @p4 s16;
	s16 =	spop @p3 (v2sf);
	(xrf2) =	vadd.scan.msk.f32 @p2 $0xffff, v29  }
0x16b: {  	v8 =	vpsel p1, v15, v8;
	s2 =	smov.u32 @p4 s2;
	v27 =	vpsel p2, v36, v27;
	v32 =	vmov @p2 v39;
	s11 =	sadd.f32 @p4 s14, s11;
	s14 =	spop @p4 (v2sf)  }
0x16c: {  	v20 =	vmov @p2 v27;
	v26 =	vpsel p2, v32, v26;
	v40, _, _ =	vpop @p2 (xrf2);
	s2 =	sadd.f32 @p4 s14, s2;
	v45 =	vsub.s32 $0x3F7FFFFF, v62  }
0x16d: {  	s25 =	smov.u32 @p3 s13;
	s13 =	simm.f32 $0.0e+00;
	v44, _, _ =	vpop (xrf2);
	(v2sf) =	vpush @p1 v33, $0xF;
	vm13 =	veq.s32 v63, v1;
	v46 =	vshrl.u32 v45, $0x14  }
0x16e: {  	v20 =	vpsel p2, v20, v0;
	s11 =	sadd.f32 @p4 s15, s11;
	(v2sf) =	vpush @p3 v35, $0xF;
	v27, _, _ =	vpop @p1 (xrf2);
	s13 =	smov.u32 @p4 s2;
	v7 =	vnsel vm13, $0x3FF, v46  }
0x16f: {  	(xrf2) =	vadd.scan.msk.f32 @p2 $0xffff, v20;
	v20 =	vpsel p2, v40, v0;
	(v2sf) =	vpush @p2 v26, $0xF;
	v26, _, _ =	vpop @p1 (xrf2);
	s2 =	smov.u32 @p4 s9;
	s9 =	sadd.f32 @p3 s25, s13;
	[tilespmem:s0+$0x10] =	vst v7  }
0x170: {  	vm14 =	vmmov vm12;
	v35 =	vmov @p1 v37;
	v15 =	vpop @p1 (erf);
	s0 =	sadd.f32 @p4 s2, s11;
	s2 =	spop @p2 (v2sf);
	(v2sf) =	vpush @p2 v20, $0xF;
	v49 =	vld [tilespmem:s6+$0x10]  }
0x171: {  	v48 =	vnsel vm12, $0x0, v60;
	v33 =	vmov @p2 v42;
	(xrf2) =	vadd.scan.msk.f32 @p1 $0xffff, v8;
	v16 =	vpsel p1, v35, v16;
	s7 =	sadd.f32 @p3 s7, s9;
	v50 =	vpop (erf);
	s11 =	spop @p4 (v2sf)  }
0x172: {  	v33 =	vpsel p2, v33, v0;
	v51, _, _ =	vpop (xrf2);
	(xrf2) =	vadd.scan.msk.f32 $0xffff, v48;
	v52 =	vnsel vm14, $0x0, v50;
	s9 =	spop @p3 (v2sf);
	s0 =	sadd.f32 @p4 s11, s0;
	(v2sf) =	vpush @p1 v26, $0xF  }
0x173: {  	s13 =	simm.f32 $0.0e+00;
	v53, _, _ =	vpop (xrf2);
	(xrf2) =	vadd.scan.msk.f32 $0xffff, v52;
	s11 =	spop @p3 (v2sf);
	(v2sf) =	vpush @p2 v33, $0xF  }
0x174: {  	s13 =	smov.u32 @p4 s0;
	s0 =	spop @p2 (v2sf);
	(v2sf) =	vpush @p1 v16, $0xF;
	v16, _, _ =	vpop @p2 (xrf2)  }
0x175: {  	vm3 =	vmmov @p1 vm9;
	s7 =	sadd.f32 @p3 s16, s7;
	s14 =	spop @p3 (v2sf);
	(v2sf) =	vpush @p2 v16, $0xF;
	v54 =	vmul.f32 $1.442695020e+00, v49  }
0x176: {  	v30 =	vnsel @p1 vm9, $0x0, v30;
	v15 =	vnsel @p1 vm3, $0x0, v15;
	s9 =	smov.u32 @p3 s9;
	s15 =	spop @p2 (v2sf)  }
0x177: {  	v55 =	vpsel p1, v30, v9;
	s7 =	smov.u32 @p3 s7;
	s9 =	sadd.f32 @p3 s9, s13;
	v16 =	vpsel p1, v15, v0;
	s13 =	spop @p3 (v2sf);
	(erf) = vpow2.f32 v54  }
0x178: {  	v9 =	vpsel p1, v55, v0;
	(xrf2) =	vadd.scan.msk.f32 @p1 $0xffff, v16;
	s7 =	sadd.f32 @p3 s13, s7  }
0x179: {  	v30, _, _ =	vpop @p2 (xrf2);
	(v2sf) =	vpush v51, $0xF;
	(xrf2) =	vadd.scan.msk.f32 @p1 $0xffff, v9;
	s13 =	simm.f32 $0.0e+00  }
0x17a: {  	s2 =	smov.u32 @p2 s2;
	s9 =	sadd.f32 @p3 s14, s9;
	(v2sf) =	vpush @p2 v30, $0xF;
	v16 =	vmov @p1 v31;
	s13 =	smov.u32 @p3 s7  }
0x17b: {  	v9, _, _ =	vpop @p1 (xrf2);
	v12 =	vpsel p1, v16, v12;
	s7 =	smov.u32 @p3 s11;
	s2 =	sadd.f32 @p2 s2, s13  }
0x17c: {  	(xrf1) =	vunique.msk.u32 @p1 $0xffff, v25;
	v9 =	vpsel p1, v9, v0;
	v56, _, _ =	vpop (xrf2);
	s7 =	sadd.f32 @p3 s7, s9;
	s9 =	spop @p1 (v2sf);
	(v2sf) =	vpush @p1 v12, $0xF  }
0x17d: {  	v57 =	vnsel vm0, $0x0, v6;
	(xrf1) =	vunique.msk.u32 $0xffff, v7;
	v16 =	vmov @p1 v27;
	v58, _, _ =	vpop (xrf2);
	s0 =	sadd.f32 @p2 s0, s2;
	s2 =	spop @p3 (v2sf);
	(v2sf) =	vpush @p1 v9, $0xF  }
0x17e: {  	(xrf2) =	vadd.scan.msk.f32 $0xffff, v57;
	v9 =	vpsel p1, v16, v0;
	s11 =	spop @p2 (v2sf);
	(v2sf) =	vpush v58, $0xF  }
0x17f: {  	s2 =	sadd.f32 @p3 s2, s7;
	s7 =	spop @p2 (v2sf);
	(v2sf) =	vpush @p1 v9, $0xF  }
0x180: {  	s13 =	simm.f32 $0.0e+00;
	v59 =	vpop (erf)  }
0x181: {  	s13 =	smov.u32 @p3 s2;
	s2 =	smov.u32 @p2 s11;
	s11 =	spop @p1 (v2sf);
	v6 =	vnsel vm13, $0x0, v59  }
0x182: {  	v60 =	vnsel vm13, $0x0, v49;
	v16, _, _ =	vpop @p1 (xrf2);
	s2 =	sadd.f32 @p2 s2, s13;
	s13 =	spop @p2 (v2sf);
	(v2sf) =	vpush v53, $0xF;
	(xrf2) =	vadd.scan.msk.f32 $0xffff, v6  }
0x183: {  	s0 =	sadd.f32 @p2 s15, s0;
	v9, _, _ =	vpop @p1 (xrf2);
	s14 =	spop @p1 (v2sf);
	(v2sf) =	vpush @p1 v16, $0xF;
	(xrf2) =	vadd.scan.msk.f32 $0xffff, v60  }
0x184: {  	s2 =	sadd.f32 @p2 s13, s2;
	s13 =	spop @p2 (v2sf);
	(v2sf) =	vpush @p1 v9, $0xF  }
0x185: {  	s0 =	smov.u32 @p2 s0  }
0x186: {  	s7 =	smov.u32 @p2 s7;
	s0 =	sadd.f32 @p2 s13, s0  }
0x187: {  	[tilespmem:s19+$0x10] =	vst @p3 v24;
	s2 =	sadd.f32 @p2 s7, s2;
	s7 =	simm.f32 $0.0e+00;
	(v2sf) =	vpush v44, $0xF  }
0x188: {  	[tilespmem:v17+s8+$0x0] =	vst.idx.add.s32.msk @p3 vm11, v28;
	s9 =	smov.u32 @p1 s9;
	s23 =	spop (v2sf);
	v61, _, _ =	vpop (xrf2);
	s7 =	smov.u32 @p2 s0  }
0x189: {  	[tilespmem:s3+$0xFFFFFFF0] =	vst @p2 v22;
	(v2sf) =	vpush v61, $0xF;
	s7 =	sadd.f32 @p1 s9, s7;
	s9 =	spop @p2 (v2sf)  }
0x18a: {  	s12 =	smov.u32 @p2 s3;
	s10 =	smov.u32 @p1 s1;
	[tilespmem:v3+s8+$0x0] =	vst.idx.add.s32.msk @p2 vm2, v2;
	_, v8, vm0 =	vpop @p1 (xrf1);
	(v2sf) =	vpush v56, $0xF;
	s2 =	sadd.f32 @p2 s9, s2  }
0x18b: {  	[tilespmem:s12+$0x10] =	vst @p2 v21;
	_, v3, vm15 =	vpop (xrf1);
	s9 =	simm.f32 $0.0e+00;
	s7 =	sadd.f32 @p1 s11, s7;
	s11 =	spop @p1 (v2sf)  }
0x18c: {  	vm4 =	vmmov @p1 vm10;
	[tilespmem:s1+$0xFFFFFFF0] =	vst @p1 v19;
	v9 =	vmov @p1 v34;
	s9 =	smov.u32 @p2 s2;
	s11 =	smov.u32 @p1 s11;
	s2 =	spop @p1 (v2sf);
	v62, _, _ =	vpop (xrf2)  }
0x18d: {  	[tilespmem:s10+$0x10] =	vst @p1 v15;
	v12 =	vmov @p2 v38;
	v9 =	vpsel p1, v9, v11;
	s9 =	sadd.f32 @p1 s11, s9;
	s24 =	spop (v2sf);
	(v2sf) =	vpush v62, $0xF;
	v63, _, _ =	vpop (xrf2)  }
0x18e: {  	[tilespmem:s6+$0x10] =	vst v6;
	v11 =	vpsel p2, v12, v13;
	v6 =	vmov @p1 v25;
	s7 =	sadd.f32 @p1 s14, s7;
	s13 =	spop @p1 (v2sf);
	(v2sf) =	vpush v63, $0xF  }
0x18f: {  	[tilespmem:s6+$0xFFFFFFF0] =	vst v52;
	v2 =	vpsel p1, v6, v4;
	s14 =	rddreg [dreg:$0x5]  }
0x190: {  	[tilespmem:v23+s8+$0x0] =	vst.idx.add.s32.msk vm7, v18;
	s9 =	sadd.f32 @p1 s13, s9  }
0x191: {  	[tilespmem:v7+s8+$0x0] =	vst.idx.add.s32.msk vm15, v3;
	v4 =	vpsel p1, v5, v14;
	s2 =	smov.u32 @p1 s2;
	s13 =	rddreg [dreg:$0x3];
	s25 =	spop (v2sf)  }
0x192: {  	[tilespmem:v9+s8+$0x0] =	vst.idx.add.s32.msk @p1 vm4, v4;
	s7 =	smov.u32 @p1 s7;
	s2 =	sadd.f32 @p1 s2, s9;
	s3 =	spop @p1 (v2sf)  }
0x193: {  	[tilespmem:v11+s8+$0x0] =	vst.idx.add.s32.msk @p2 vm6, v10;
	s3 =	sadd.f32 @p1 s3, s7;
	s7 =	spop @p1 (v2sf)  }
0x194: {  	s1 =	simm.f32 $0.0e+00;
	[tilespmem:v2+s8+$0x0] =	vst.idx.add.s32.msk @p1 vm0, v8;
	s2 =	sadd.f32 @p1 s7, s2  }
0x195: {  	s9 =	rddreg [dreg:$0x7];
	s1 =	smov.u32 @p1 s3;
	s3 =	simm.f32 $0.0e+00  }
0x196: {  	s26 =	spop (v2sf);
	s0 =	sadd.f32 s23, s1;
	s3 =	smov.u32 @p1 s2  }
0x197: {  	s1 =	sadd.f32 s26, s3  }
0x198: {  	s28 =	spop (v2sf);
	s3 =	rddreg [dreg:$0x8]  }
0x199: {  	s29 =	spop (v2sf);
	s0 =	sadd.f32 s24, s0  }
.Ltmp10:
0x19a: {  	s1 =	sadd.f32 s29, s1;
	(pc) =	sbr.rel .LBB2_6-.Ltmp10, $4  }
0x19b: {  	s0 =	sadd.f32 s25, s0  }
0x19c: {  	s2 =	sadd.f32 s28, s1;
	s30 =	spop (v2sf)  }
0x19d: {  	s1 =	sadd.f32 s30, s0;
	s31 =	spop (v2sf)  }
0x19e: {  	s15 =	stileid.u32;
	s2 =	sadd.f32 s31, s2  }
.LBB2_5:
0x19f: {  	s2 =	simm.f32 $0.0e+00;
	s1 =	simm.f32 $0.0e+00  }
.LBB2_6:
0x1a0: {  	p1 =	slt.s32 s3, $0x1  }
0x1a1: {  	s3 =	sshll.u32 @!p1 s4, $0x5  }
0x1a2: {  	v2 =	vld @!p1 [tilespmem:s3+$0x3000]  }
0x1a3: {  	v3 =	vld @!p1 [tilespmem:s3+$0x4000];
	_ =	sdelay $0x3  }
0x1a4: {  	v2 =	vsub.s32 @!p1 $0x3F7FFFFF, v2  }
0x1a5: {  	vm0 =	veq.s32 @!p1 v3, v1;
	v2 =	vshrl.u32 @!p1 v2, $0x14  }
0x1a6: {  	v2 =	vnsel @!p1 vm0, $0x3FF, v2  }
0x1a7: {  	(xrf1) =	vunique.msk.u32 @!p1 $0xffff, v2  }
0x1a8: {  	v3 =	vld @!p1 [tilespmem:s3+$0x2000];
	_ =	sdelay $0x4  }
0x1a9: {  	v4 =	vmul.f32 @!p1 $1.442695020e+00, v3;
	_ =	sdelay $0x1  }
0x1aa: {  	(erf) = vpow2.f32 @!p1 v4;
	_ =	sdelay $0x5  }
0x1ab: {  	_, v4, vm1 =	vpop @!p1 (xrf1);
	_ =	sdelay $0x2  }
0x1ac: {  	v5 =	vpop @!p1 (erf)  }
0x1ad: {  	[tilespmem:s3+$0x0] =	vst @!p1 v2;
	v5 =	vnsel @!p1 vm0, $0x0, v5  }
0x1ae: {  	s8 =	simm.s32 @!p1 $0x5000;
	[tilespmem:s3+$0x2000] =	vst @!p1 v5  }
0x1af: {  	[tilespmem:v2+s8+$0x0] =	vst.idx.add.s32.msk @!p1 vm1, v4  }
0x1b0: {  	v2 =	vld @!p1 [tilespmem:s3+$0x2010];
	_ =	sdelay $0x4  }
0x1b1: {  	v4 =	vmul.f32 @!p1 $1.442695020e+00, v2;
	_ =	sdelay $0x1  }
0x1b2: {  	(erf) = vpow2.f32 @!p1 v4;
	_ =	sdelay $0x3  }
0x1b3: {  	v4 =	vld @!p1 [tilespmem:s3+$0x4010];
	_ =	sdelay $0x4  }
0x1b4: {  	vm1 =	veq.s32 @!p1 v4, v1;
	v1 =	vpop @!p1 (erf)  }
0x1b5: {  	(xrf2) =	vadd.scan.msk.f32 @!p1 $0xffff, v5;
	v1 =	vnsel @!p1 vm1, $0x0, v1  }
0x1b6: {  	v3 =	vnsel @!p1 vm0, $0x0, v3;
	(xrf2) =	vadd.scan.msk.f32 @!p1 $0xffff, v1  }
0x1b7: {  	v2 =	vnsel @!p1 vm1, $0x0, v2;
	(xrf2) =	vadd.scan.msk.f32 @!p1 $0xffff, v3  }
0x1b8: {  	(xrf2) =	vadd.scan.msk.f32 @!p1 $0xffff, v2;
	v2 =	vld @!p1 [tilespmem:s3+$0x3010];
	_ =	sdelay $0x4  }
0x1b9: {  	v2 =	vsub.s32 @!p1 $0x3F7FFFFF, v2  }
0x1ba: {  	v2 =	vshrl.u32 @!p1 v2, $0x14  }
0x1bb: {  	v2 =	vnsel @!p1 vm1, $0x3FF, v2  }
0x1bc: {  	(xrf1) =	vunique.msk.u32 @!p1 $0xffff, v2;
	_ =	sdelay $0x8  }
0x1bd: {  	v3, _, _ =	vpop @!p1 (xrf2)  }
0x1be: {  	(v2sf) =	vpush @!p1 v3, $0xF;
	v4, _, _ =	vpop @!p1 (xrf2)  }
0x1bf: {  	v3, _, _ =	vpop @!p1 (xrf2);
	(v2sf) =	vpush @!p1 v4, $0xF  }
0x1c0: {  	(v2sf) =	vpush @!p1 v3, $0xF;
	v3, _, _ =	vpop @!p1 (xrf2);
	_ =	sdelay $0x1  }
0x1c1: {  	(v2sf) =	vpush @!p1 v3, $0xF;
	_, v3, vm0 =	vpop @!p1 (xrf1);
	_ =	sdelay $0x3  }
0x1c2: {  	[tilespmem:s3+$0x2010] =	vst @!p1 v1  }
0x1c3: {  	[tilespmem:s3+$0x10] =	vst @!p1 v2  }
0x1c4: {  	[tilespmem:v2+s8+$0x0] =	vst.idx.add.s32.msk @!p1 vm0, v3;
	s8 =	simm.s32 $0x0  }
0x1c5: {  	v6 =	vld [tilespmem:s8+$0x5000];
	_ =	sdelay $0x4  }
0x1c6: {  	(xrf0) =	vadd.scan.msk.s32 $0xffff, v6;
	_ =	sdelay $0x2  }
0x1c7: {  	s0 =	spop @!p1 (v2sf)  }
0x1c8: {  	s0 =	sadd.f32 @!p1 s0, s1  }
0x1c9: {  	s6 =	spop @!p1 (v2sf)  }
0x1ca: {  	s0 =	sadd.f32 @!p1 s6, s0;
	v7, _, _ =	vpop (xrf0)  }
0x1cb: {  	(v2sf) =	vpush v7, $0xF  }
0x1cc: {  	s0 =	smov.u32 @p1 s1;
	s1 =	simm.s32 $0x10  }
0x1cd: {  	s3 =	simm.s32 $0x20;
	v3 =	vld [tilespmem:s1+$0x5000]  }
0x1ce: {  	v1 =	vld [tilespmem:s3+$0x5000];
	_ =	sdelay $0x3  }
0x1cf: {  	(xrf0) =	vadd.scan.msk.s32 $0xffff, v3  }
0x1d0: {  	s7 =	spop @!p1 (v2sf);
	(xrf0) =	vadd.scan.msk.s32 $0xffff, v1  }
0x1d1: {  	s31 =	simm.s32 $0x0;
	s7 =	sadd.f32 @!p1 s7, s2  }
0x1d2: {  	v4 =	vmov s31;
	s6 =	spop @!p1 (v2sf)  }
0x1d3: {  	v4 =	vadd.s32 $0xFFFFFFFF, v4;
	s7 =	sadd.f32 @!p1 s6, s7;
	_ =	sdelay $0x1  }
0x1d4: {  	s7 =	smov.u32 @p1 s2;
	s2 =	simm.s32 $0x30;
	v5, _, _ =	vpop (xrf0)  }
0x1d5: {  	v8 =	vbroadcast v4, $0x0;
	v2 =	vld [tilespmem:s2+$0x5000];
	(v2sf) =	vpush v5, $0xF;
	v4, _, _ =	vpop (xrf0)  }
0x1d6: {  	s10 =	spop (v2sf);
	(v2sf) =	vpush v4, $0xF;
	_ =	sdelay $0x3  }
0x1d7: {  	s6 =	sadd.s32 s9, s14;
	s9 =	simm.s32 $0x40;
	(xrf0) =	vadd.scan.msk.s32 $0xffff, v2  }
0x1d8: {  	v8 =	vsub.s32 v8, v6;
	v6 =	vld [tilespmem:s9+$0x5000];
	_ =	sdelay $0x3  }
0x1d9: {  	s11 =	simm.s32 $0x140;
	v7 =	vadd.s32 v7, v8;
	s10 =	sadd.s32 $0x0, s10  }
.LBB2_7:
0x1da: {  	s12 =	sshra.s32 s11, $0x2;
	p2 =	seq.s32 s11, $0xFC0;
	s11 =	sadd.s32 $0x40, s11;
	(xrf0) =	vadd.scan.msk.s32 $0xffff, v6;
	v8, _, _ =	vpop (xrf0);
	v9 =	vmov s10;
	[tilespmem:s8+$0x5000] =	vst v7;
	v7 =	vmov v6  }
.Ltmp11:
0x1db: {  	s8 =	smov.u32 s1;
	s1 =	smov.u32 s3;
	v6 =	vld [tilespmem:s12+$0x5000];
	(v2sf) =	vpush v8, $0xF;
	v9 =	vadd.s32 $0xFFFFFFFF, v9;
	(pc) =	sbr.rel @!p2 .LBB2_7-.Ltmp11, $4  }
0x1dc: {  	s3 =	smov.u32 s2;
	s2 =	smov.u32 s9;
	s9 =	smov.u32 s12;
	v9 =	vbroadcast v9, $0x0  }
0x1dd: {  	_ = 	snop  }
0x1de: {  	v9 =	vsub.s32 v9, v3;
	s12 =	spop (v2sf);
	v3 =	vmovc v1;
	v1 =	vmov v2;
	v2 =	vmov v7  }
0x1df: {  	v7 =	vadd.s32 v5, v9;
	s10 =	sadd.s32 s10, s12;
	v5 =	vmov v4;
	v4 =	vmov v8  }
0x1e0: {  	v8, _, _ =	vpop (xrf0)  }
0x1e1: {  	(v2sf) =	vpush v8, $0xF  }
0x1e2: {  	(xrf0) =	vadd.scan.msk.s32 $0xffff, v6;
	_ =	sdelay $0x5  }
0x1e3: {  	v9, _, _ =	vpop (xrf0)  }
0x1e4: {  	(v2sf) =	vpush v9, $0xF;
	_ =	sdelay $0x4  }
0x1e5: {  	s11 =	spop (v2sf)  }
0x1e6: {  	v10 =	vmov s10;
	s28 =	sadd.s32 s10, s11;
	s29 =	spop (v2sf)  }
0x1e7: {  	v10 =	vadd.s32 $0xFFFFFFFF, v10;
	v11 =	vmov s28;
	s10 =	sadd.s32 s28, s29;
	s30 =	spop (v2sf)  }
0x1e8: {  	v10 =	vbroadcast v10, $0x0;
	v11 =	vadd.s32 $0xFFFFFFFF, v11;
	v12 =	vmov s10;
	s10 =	sadd.s32 s10, s30  }
0x1e9: {  	v11 =	vbroadcast v11, $0x0;
	v12 =	vadd.s32 $0xFFFFFFFF, v12;
	v13 =	vmov s10  }
0x1ea: {  	p2 =	slt.s32 s5, $0x1;
	v3 =	vsub.s32 v10, v3;
	v61 =	vbroadcast v12, $0x0;
	v62 =	vadd.s32 $0xFFFFFFFF, v13  }
.Ltmp12:
0x1eb: {  	[tilespmem:s8+$0x5000] =	vst v7;
	v3 =	vadd.s32 v5, v3;
	v1 =	vsub.s32 v11, v1;
	v63 =	vbroadcast v62, $0x0;
	(pc) =	sbr.rel @p2 .LBB2_11-.Ltmp12, $4  }
0x1ec: {  	[tilespmem:s1+$0x5000] =	vst v3;
	v1 =	vadd.s32 v4, v1;
	v2 =	vsub.s32 v61, v2  }
0x1ed: {  	[tilespmem:s3+$0x5000] =	vst v1;
	v1 =	vadd.s32 v8, v2;
	v2 =	vsub.s32 v63, v6  }
0x1ee: {  	[tilespmem:s2+$0x5000] =	vst v1;
	v1 =	vadd.s32 v9, v2  }
0x1ef: {  	s31 =	spop (v2sf);
	[tilespmem:s9+$0x5000] =	vst v1  }
0x1f0: {  	s1 =	simm.s32 $0x10  }
0x1f1: {  	s2 =	simm.s32 $0x5000;
	v1 =	vlaneseq.u32;
	s3 =	simm.s32 $0x1000;
	s8 =	simm.s32 $0x10  }
.LBB2_10:
0x1f2: {  	v2 =	vld [tilespmem:s8+$0xFFFFFFF0];
	_ =	sdelay $0x4  }
0x1f3: {  	(xrf1) =	vunique.msk.u32 $0xffff, v2;
	_ =	sdelay $0x9  }
0x1f4: {  	v3 =	vld.idx.msk [tilespmem:v2+s2+$0x0], $0xffff;
	_ =	sdelay $0x3  }
0x1f5: {  	_, v4, vm0 =	vpop (xrf1)  }
0x1f6: {  	v3 =	vadd.s32 v3, v4;
	_ =	sdelay $0x2  }
0x1f7: {  	s9 =	sadd.s32 $0xFFFFFFF0, s1  }
0x1f8: {  	v5 =	vor.u32 s9, v1  }
0x1f9: {  	[tilespmem:v3+s3+$0x0] =	vst.idx.msk $0xffff, v5  }
0x1fa: {  	[tilespmem:v2+s2+$0x0] =	vst.idx.add.s32.msk vm0, v4  }
0x1fb: {  	v2 =	vld [tilespmem:s8+$0x0];
	_ =	sdelay $0x4  }
0x1fc: {  	(xrf1) =	vunique.msk.u32 $0xffff, v2;
	_ =	sdelay $0x9  }
0x1fd: {  	v3 =	vld.idx.msk [tilespmem:v2+s2+$0x0], $0xffff;
	_ =	sdelay $0x3  }
0x1fe: {  	_, v4, vm0 =	vpop (xrf1)  }
0x1ff: {  	v3 =	vadd.s32 v3, v4  }
0x200: {  	p2 =	seq.s32 s5, $0x1  }
.Ltmp13:
0x201: {  	_ = 	snop;
	(pc) =	sbr.rel @!p2 .LBB2_10-.Ltmp13, $4  }
0x202: {  	_ = 	snop  }
0x203: {  	v63 =	vor.u32 s1, v1  }
0x204: {  	[tilespmem:v3+s3+$0x0] =	vst.idx.msk $0xffff, v63  }
0x205: {  	s1 =	sadd.s32 $0x20, s1;
	s5 =	sadd.s32 $0xFFFFFFFF, s5;
	s8 =	sadd.s32 $0x20, s8;
	[tilespmem:v2+s2+$0x0] =	vst.idx.add.s32.msk vm0, v4  }
.LBB2_11:
.Ltmp14:
0x206: {  	(pc) =	sbr.rel @p0 .LBB2_12-.Ltmp14, $3  }
0x207: {  	_ =	sdelay $0x1  }
0x208: {  	v0 =	vbroadcast v0, $0xF  }
0x209: {  	v1 =	vimm.f32 $0.0e+00  }
0x20a: {  	s3 =	simm.s32 $0x1020  }
0x20b: {  	v3 =	vld [tilespmem:s3+$0xFFFFFFE0];
	_ =	sdelay $0x2  }
0x20c: {  	v4 =	vld [tilespmem:s3+$0x0]  }
0x20d: {  	v5 =	vld [tilespmem:s3+$0xFFFFFFF0];
	_ =	sdelay $0x2  }
0x20e: {  	s1 =	simm.s32 $0x2000  }
0x20f: {  	v3 =	vld.idx.msk [tilespmem:v3+s1+$0x0], $0xffff;
	_ =	sdelay $0x2  }
0x210: {  	v7 =	vld.idx.msk [tilespmem:v4+s1+$0x0], $0xffff  }
0x211: {  	v4 =	vld.idx.msk [tilespmem:v5+s1+$0x0], $0xffff  }
0x212: {  	(xrf2) =	vadd.scan.msk.f32 $0xffff, v3;
	_ =	sdelay $0x2  }
0x213: {  	v5 =	vld [tilespmem:s3+$0x10];
	(xrf2) =	vadd.scan.msk.f32 $0xffff, v7  }
0x214: {  	(xrf2) =	vadd.scan.msk.f32 $0xffff, v4;
	_ =	sdelay $0x5  }
0x215: {  	v9, _, _ =	vpop (xrf2)  }
0x216: {  	v2 =	vlaneseq.u32;
	s29 =	simm.s32 $0x20;
	p2 =	sgt.s32 s4, $0x2;
	v6 =	vld.idx.msk [tilespmem:v5+s1+$0x0], $0xffff;
	v10 =	vsub.f32 s0, v9  }
.Ltmp15:
0x217: {  	v5 =	vor.u32 s29, v2;
	(pc) =	sbr.rel @!p2 .LBB2_32-.Ltmp15, $4  }
0x218: {  	vm0 =	vlt.s32 v5, v0;
	v8, _, _ =	vpop (xrf2);
	v11 =	vadd.f32 v10, v3  }
0x219: {  	s30 =	simm.s32 $0x10;
	vm0 =	vmmov vm0;
	(v2sf) =	vpush v9, $0xF;
	v13, _, _ =	vpop (xrf2)  }
0x21a: {  	s31 =	simm.s32 $0x30;
	v3 =	vor.u32 s30, v2;
	(v2sf) =	vpush v13, $0xF;
	v5 =	vmax.f32 v11, $0.0e+00  }
0x21b: {  	s2 =	simm.s32 $0x0;
	p0 =	por $0x0, $0x0;
	s3 =	simm.s32 $0x1060;
	(xrf2) =	vadd.scan.msk.f32 $0xffff, v6;
	v10 =	vor.u32 s31, v2;
	(v2sf) =	vpush v8, $0xF;
	v16 =	vadd.f32 $9.999999960e-13, v5  }
0x21c: {  	_ =	sdelay $0xa  }
0x21d: {  	v5 =	vld [tilespmem:s3+$0xFFFFFFE0]  }
0x21e: {  	v9 =	vand.u32 $0x7FFFFF, v16;
	s5 =	spop (v2sf)  }
0x21f: {  	vm1 =	vmmov vm0;
	v9 =	vor.u32 $0x3F800000, v9;
	s0 =	ssub.f32 s0, s5  }
0x220: {  	s28 =	simm.s32 $0x60;
	v27 =	vor.u32 s2, v2;
	v11 =	vshrl.u32 v16, $0x17;
	v9 =	vadd.f32 $-1.000000000e+00, v9  }
0x221: {  	v12 =	vor.u32 s28, v2;
	v11 =	vadd.s32 $0xFFFFFF81, v11;
	v13 =	vsub.f32 s0, v13  }
0x222: {  	v14 =	vld [tilespmem:s3+$0x0];
	vm2 =	vlt.s32 v12, v0;
	v11 =	vcvt.s32.f32 v11;
	v12 =	vmul.f32 $4.392862690e-02, v9;
	s9 =	spop (v2sf)  }
0x223: {  	v15 =	vld [tilespmem:s3+$0xFFFFFFF0];
	vm0 =	vmmov vm2;
	v16 =	vmul.f32 $4.115614890e-01, v9;
	s0 =	ssub.f32 s0, s9;
	v4 =	vadd.f32 v13, v4  }
0x224: {  	vm2 =	vlt.s32 v27, v0;
	v12 =	vadd.f32 $-1.898324490e-01, v12;
	v13 =	vmul.f32 v9, v9  }
0x225: {  	v16 =	vadd.f32 $-7.072534560e-01, v16;
	v19 =	vld.idx.msk [tilespmem:v5+s1+$0x0], $0xffff;
	v18, _, _ =	vpop (xrf2);
	s30 =	spop (v2sf);
	v8 =	vsub.f32 s0, v8;
	v4 =	vmax.f32 v4, $0.0e+00  }
0x226: {  	s8 =	simm.s32 $0x70;
	(v2sf) =	vpush v18, $0xF;
	s0 =	ssub.f32 s0, s30;
	v12 =	vmul.f32 v12, v13;
	v4 =	vadd.f32 $9.999999960e-13, v4  }
0x227: {  	v17 =	vmul.f32 $1.441592100e+00, v9;
	v5 =	vor.u32 s8, v2;
	v8 =	vadd.f32 v8, v7  }
0x228: {  	s29 =	simm.s32 $0x50;
	v18 =	vsub.f32 s0, v18;
	v12 =	vadd.f32 v12, v16;
	v16 =	vand.u32 $0x7FFFFF, v4  }
0x229: {  	v9 =	vor.u32 s29, v2;
	v8 =	vmax.f32 v8, $0.0e+00;
	v16 =	vor.u32 $0x3F800000, v16  }
0x22a: {  	(xrf2) =	vadd.scan.msk.f32 $0xffff, v19;
	v7 =	vld.idx.msk [tilespmem:v14+s1+$0x0], $0xffff;
	v6 =	vadd.f32 v18, v6;
	v12 =	vmul.f32 v12, v13;
	v13 =	vadd.f32 $-1.000000000e+00, v16  }
0x22b: {  	v14 =	vshrl.u32 v4, $0x17;
	v4 =	vld.idx.msk [tilespmem:v15+s1+$0x0], $0xffff;
	v15 =	vadd.f32 $1.439093010e-05, v17;
	v8 =	vadd.f32 $9.999999960e-13, v8  }
0x22c: {  	v14 =	vadd.s32 $0xFFFFFF81, v14;
	v6 =	vmax.f32 v6, $0.0e+00;
	v16 =	vmul.f32 $4.392862690e-02, v13  }
0x22d: {  	v20 =	vand.u32 $0x7FFFFF, v8;
	v6 =	vadd.f32 $9.999999960e-13, v6;
	v21 =	vshrl.u32 v8, $0x17  }
0x22e: {  	v12 =	vadd.f32 v12, v15;
	v8 =	vadd.f32 $-1.898324490e-01, v16;
	v16 =	vor.u32 $0x3F800000, v20  }
0x22f: {  	(xrf2) =	vadd.scan.msk.f32 $0xffff, v7;
	v17 =	vmul.f32 $1.441592100e+00, v13;
	v20 =	vcvt.s32.f32 v14;
	v14 =	vadd.f32 $-1.000000000e+00, v16  }
0x230: {  	v18 =	vmul.f32 v13, v13;
	v13 =	vmul.f32 $4.115614890e-01, v13;
	(xrf2) =	vadd.scan.msk.f32 $0xffff, v4;
	v16 =	vand.u32 $0x7FFFFF, v6  }
0x231: {  	v24 =	vld [tilespmem:s3+$0x10];
	v11 =	vadd.f32 v11, v12;
	v15 =	vor.u32 $0x3F800000, v16;
	v16 =	vmul.f32 $4.392862690e-02, v14  }
0x232: {  	v13 =	vadd.f32 $-7.072534560e-01, v13;
	v8 =	vmul.f32 v8, v18;
	v15 =	vadd.f32 $-1.000000000e+00, v15  }
0x233: {  	v12 =	vmul.f32 v14, v14;
	v22 =	vmul.f32 $4.115614890e-01, v14;
	v16 =	vadd.f32 $-1.898324490e-01, v16  }
0x234: {  	v23, _, _ =	vpop (xrf2);
	v21 =	vadd.s32 $0xFFFFFF81, v21;
	v8 =	vadd.f32 v8, v13;
	v13 =	vmul.f32 $4.392862690e-02, v15  }
0x235: {  	s31 =	spop (v2sf);
	(v2sf) =	vpush v23, $0xF;
	v22 =	vadd.f32 $-7.072534560e-01, v22;
	v16 =	vmul.f32 v16, v12  }
0x236: {  	s0 =	ssub.f32 s0, s31;
	v17 =	vadd.f32 $1.439093010e-05, v17;
	v6 =	vshrl.u32 v6, $0x17;
	v13 =	vadd.f32 $-1.898324490e-01, v13  }
0x237: {  	v16 =	vadd.f32 v16, v22;
	v22 =	vadd.s32 $0xFFFFFF81, v6;
	v6 =	vmul.f32 $4.115614890e-01, v15  }
0x238: {  	v23 =	vsub.f32 s0, v23;
	v14 =	vmul.f32 $1.441592100e+00, v14;
	v25 =	vmul.f32 v15, v15  }
0x239: {  	v26 =	vmul.f32 $1.441592100e+00, v15;
	v18 =	vmul.f32 v8, v18;
	v8, _, _ =	vpop (xrf2);
	v15 =	vadd.f32 $-7.072534560e-01, v6;
	v6 =	vld.idx.msk [tilespmem:v24+s1+$0x0], $0xffff  }
0x23a: {  	v11 =	vmul.f32 $6.931471820e-01, v11;
	v19 =	vadd.f32 v23, v19;
	v28 =	vmul.f32 v13, v25;
	v13, _, _ =	vpop (xrf2)  }
0x23b: {  	v14 =	vadd.f32 $1.439093010e-05, v14;
	v12 =	vmul.f32 v16, v12;
	(v2sf) =	vpush v13, $0xF  }
0x23c: {  	p2 =	sgt.s32 s4, $0x4;
	v18 =	vadd.f32 v18, v17;
	v17 =	vnsel vm2, $0x0, v11;
	(v2sf) =	vpush v8, $0xF  }
.Ltmp16:
0x23d: {  	vm2 =	vlt.s32 v10, v0;
	v16 =	vcvt.s32.f32 v21;
	v12 =	vadd.f32 v12, v14;
	(pc) =	sbr.rel @!p2 .LBB2_34-.Ltmp16, $4  }
0x23e: {  	v10 =	vmax.f32 v19, $0.0e+00;
	v11 =	vadd.f32 v20, v18;
	v15 =	vadd.f32 v28, v15;
	(xrf2) =	vadd.scan.msk.f32 $0xffff, v6  }
0x23f: {  	v20 =	vadd.f32 $1.439093010e-05, v26;
	v14 =	vcvt.s32.f32 v22;
	v12 =	vadd.f32 v16, v12  }
0x240: {  	s2 =	simm.s32 $0x4;
	s3 =	simm.s32 $0x40;
	v18 =	vmul.f32 v15, v25;
	v16 =	vadd.f32 $9.999999960e-13, v10;
	v15 =	vmul.f32 $6.931471820e-01, v11  }
0x241: {  	p0 =	por $0x1, $0x1;
	s8 =	simm.s32 $0x40;
	s5 =	simm.s32 $0x10A0;
	v11 =	vimm.f32 $0.0e+00;
	v19 =	vmul.f32 $6.931471820e-01, v12;
	v12 =	vimm.f32 $0.0e+00  }
.LBB2_35:
0x242: {  	v10 =	vld [tilespmem:s5+$0xFFFFFFE0];
	s2 =	sadd.s32 $0x2, s2;
	v12 =	vadd.f32 v17, v12;
	vm4 =	vlt.s32 v3, v0;
	v17 =	vadd.f32 v18, v20;
	v3 =	vmovc v9  }
0x243: {  	s8 =	sadd.s32 $0x40, s8;
	v18 =	vld [tilespmem:s5+$0x0];
	p2 =	slt.s32 s2, s4;
	v9 =	vshrl.u32 v16, $0x17;
	v16 =	vand.u32 $0x7FFFFF, v16;
	v19 =	vnsel vm1, $0x0, v19  }
0x244: {  	s9 =	sadd.s32 $0x20, s8;
	v20 =	vld [tilespmem:s5+$0xFFFFFFF0];
	v16 =	vor.u32 $0x3F800000, v16;
	s10 =	spop (v2sf);
	v12 =	vadd.f32 v19, v12;
	v14 =	vadd.f32 v14, v17  }
0x245: {  	v17 =	vor.u32 s9, v2;
	v19 =	vadd.s32 $0xFFFFFF81, v9;
	s0 =	ssub.f32 s0, s10;
	v9 =	vadd.f32 $-1.000000000e+00, v16  }
0x246: {  	v15 =	vnsel vm4, $0x0, v15;
	vm3 =	vlt.s32 v17, v0;
	v14 =	vmul.f32 $6.931471820e-01, v14  }
0x247: {  	v11 =	vadd.f32 v15, v11;
	v13 =	vsub.f32 s0, v13;
	v16 =	vmul.f32 $4.392862690e-02, v9  }
0x248: {  	v15 =	vmul.f32 $4.115614890e-01, v9;
	v17 =	vmul.f32 $1.441592100e+00, v9;
	v21, _, _ =	vpop (xrf2);
	v14 =	vnsel vm2, $0x0, v14  }
0x249: {  	s9 =	sadd.s32 $0x10, s8;
	v4 =	vadd.f32 v13, v4;
	v13 =	vmul.f32 v9, v9;
	(v2sf) =	vpush v21, $0xF  }
0x24a: {  	v9 =	vor.u32 s9, v2;
	s9 =	sadd.s32 $0x30, s8;
	v16 =	vadd.f32 $-1.898324490e-01, v16;
	v11 =	vadd.f32 v14, v11;
	v10 =	vld.idx.msk [tilespmem:v10+s1+$0x0], $0xffff;
	s10 =	spop (v2sf)  }
0x24b: {  	v15 =	vadd.f32 $-7.072534560e-01, v15;
	v14 =	vld.idx.msk [tilespmem:v18+s1+$0x0], $0xffff;
	v18 =	vor.u32 s9, v2;
	v4 =	vmax.f32 v4, $0.0e+00;
	s0 =	ssub.f32 s0, s10;
	s9 =	spop (v2sf)  }
0x24c: {  	vm1 =	vmmov vm0;
	v16 =	vmul.f32 v16, v13;
	v22 =	vadd.f32 $9.999999960e-13, v4  }
0x24d: {  	v19 =	vcvt.s32.f32 v19;
	vm0 =	vmmov vm3;
	v4 =	vld.idx.msk [tilespmem:v20+s1+$0x0], $0xffff;
	v8 =	vsub.f32 s0, v8;
	s0 =	ssub.f32 s0, s9  }
0x24e: {  	v15 =	vadd.f32 v16, v15;
	v16 =	vshrl.u32 v22, $0x17;
	v20 =	vand.u32 $0x7FFFFF, v22  }
0x24f: {  	v20 =	vor.u32 $0x3F800000, v20;
	v22 =	vadd.f32 v8, v7;
	v8 =	vsub.f32 s0, v21  }
0x250: {  	v13 =	vmul.f32 v15, v13;
	v15 =	vadd.f32 $1.439093010e-05, v17;
	(xrf2) =	vadd.scan.msk.f32 $0xffff, v10;
	v17 =	vadd.f32 $-1.000000000e+00, v20  }
0x251: {  	v16 =	vadd.s32 $0xFFFFFF81, v16;
	v7 =	vmovc v14;
	v20 =	vmax.f32 v22, $0.0e+00;
	v6 =	vadd.f32 v8, v6  }
0x252: {  	v8 =	vmul.f32 $4.392862690e-02, v17;
	v14 =	vmul.f32 $1.441592100e+00, v17;
	v20 =	vadd.f32 $9.999999960e-13, v20  }
0x253: {  	v21 =	vmul.f32 v17, v17;
	v17 =	vmul.f32 $4.115614890e-01, v17;
	(xrf2) =	vadd.scan.msk.f32 $0xffff, v7;
	v6 =	vmax.f32 v6, $0.0e+00  }
0x254: {  	v22 =	vshrl.u32 v20, $0x17;
	v20 =	vand.u32 $0x7FFFFF, v20;
	v6 =	vadd.f32 $9.999999960e-13, v6  }
0x255: {  	v16 =	vcvt.s32.f32 v16;
	v8 =	vadd.f32 $-1.898324490e-01, v8;
	v20 =	vor.u32 $0x3F800000, v20  }
0x256: {  	v23 =	vld [tilespmem:s5+$0x10];
	(xrf2) =	vadd.scan.msk.f32 $0xffff, v4;
	v20 =	vadd.f32 $-1.000000000e+00, v20;
	v24 =	vshrl.u32 v6, $0x17;
	v6 =	vand.u32 $0x7FFFFF, v6  }
0x257: {  	v27 =	vadd.f32 v13, v15;
	v15 =	vadd.f32 $-7.072534560e-01, v17;
	v6 =	vor.u32 $0x3F800000, v6  }
0x258: {  	v8 =	vmul.f32 v8, v21;
	v17 =	vmul.f32 $4.392862690e-02, v20;
	v25 =	vadd.f32 $-1.000000000e+00, v6;
	s9 =	spop (v2sf)  }
0x259: {  	v19 =	vadd.f32 v19, v27;
	v26 =	vmul.f32 v20, v20;
	v6 =	vmul.f32 $4.115614890e-01, v20;
	s0 =	ssub.f32 s0, s9  }
0x25a: {  	v15 =	vadd.f32 v8, v15;
	v13, _, _ =	vpop (xrf2);
	v29 =	vadd.f32 $-1.898324490e-01, v17;
	v17 =	vmul.f32 $4.392862690e-02, v25  }
0x25b: {  	v20 =	vmul.f32 $1.441592100e+00, v20;
	v27 =	vmul.f32 v25, v25;
	(v2sf) =	vpush v13, $0xF  }
0x25c: {  	v28 =	vsub.f32 s0, v13;
	v13 =	vmul.f32 v29, v26;
	v17 =	vadd.f32 $-1.898324490e-01, v17  }
0x25d: {  	v14 =	vadd.f32 $1.439093010e-05, v14;
	v30 =	vmul.f32 $1.441592100e+00, v25;
	v29 =	vadd.f32 $-7.072534560e-01, v6;
	v8, _, _ =	vpop (xrf2)  }
0x25e: {  	v15 =	vmul.f32 v15, v21;
	v6 =	vld.idx.msk [tilespmem:v23+s1+$0x0], $0xffff;
	v23 =	vor.u32 s3, v2;
	v21 =	vmul.f32 v17, v27;
	s3 =	smov.u32 s8  }
0x25f: {  	v24 =	vadd.s32 $0xFFFFFF81, v24;
	v17 =	vadd.s32 $0xFFFFFF81, v22;
	v22 =	vadd.f32 v13, v29  }
0x260: {  	v15 =	vadd.f32 v15, v14;
	v14 =	vadd.f32 $1.439093010e-05, v20;
	v20 =	vmul.f32 $4.115614890e-01, v25;
	v13, _, _ =	vpop (xrf2)  }
0x261: {  	v19 =	vmul.f32 $6.931471820e-01, v19;
	v22 =	vmul.f32 v22, v26;
	(v2sf) =	vpush v13, $0xF  }
0x262: {  	v20 =	vadd.f32 $-7.072534560e-01, v20;
	vm2 =	vlt.s32 v23, v0;
	(v2sf) =	vpush v8, $0xF  }
.Ltmp17:
0x263: {  	v23 =	vcvt.s32.f32 v17;
	v22 =	vadd.f32 v22, v14;
	v14 =	vcvt.s32.f32 v24;
	(pc) =	sbr.rel @p2 .LBB2_35-.Ltmp17, $4  }
0x264: {  	v10 =	vadd.f32 v28, v10;
	v17 =	vnsel vm2, $0x0, v19;
	v19 =	vadd.f32 v21, v20;
	(xrf2) =	vadd.scan.msk.f32 $0xffff, v6  }
0x265: {  	v15 =	vadd.f32 v16, v15;
	vm2 =	vlt.s32 v5, v0;
	v5 =	vmovc v18;
	v21 =	vadd.f32 v23, v22  }
0x266: {  	v10 =	vmax.f32 v10, $0.0e+00;
	v20 =	vadd.f32 $1.439093010e-05, v30;
	v18 =	vmul.f32 v19, v27  }
0x267: {  	s5 =	sadd.s32 $0x40, s5;
	v16 =	vadd.f32 $9.999999960e-13, v10;
	v15 =	vmul.f32 $6.931471820e-01, v15;
	v19 =	vmul.f32 $6.931471820e-01, v21  }
0x268: {  	v21 =	vmov v3;
	v3 =	vmov v9;
	s2 =	smov.u32 s3;
	v10 =	vmov v5  }
.LBB2_37:
0x269: {  	_ =	sdelay $0x1  }
0x26a: {  	v5 =	vadd.f32 @p0 v17, v12;
	v9 =	vadd.f32 @p0 v18, v20;
	v32 =	vand.u32 $0x7FFFFF, v16  }
0x26b: {  	vm3 =	vlt.s32 @p0 v21, v0;
	v33 =	vshrl.u32 v16, $0x17;
	s1 =	spop (v2sf);
	v12 =	vor.u32 $0x3F800000, v32  }
0x26c: {  	v17 =	vnsel @p0 vm1, $0x0, v19;
	s0 =	ssub.f32 s0, s1;
	v9 =	vadd.f32 @p0 v14, v9;
	v12 =	vadd.f32 $-1.000000000e+00, v12  }
0x26d: {  	v2 =	vor.u32 s2, v2;
	vm0 =	vmmov vm0;
	v15 =	vnsel @p0 vm3, $0x0, v15  }
0x26e: {  	v13 =	vsub.f32 s0, v13;
	v9 =	vmul.f32 @p0 $6.931471820e-01, v9;
	v35 =	vmul.f32 $4.392862690e-02, v12  }
0x26f: {  	v11 =	vadd.f32 @p0 v15, v11;
	v36 =	vmul.f32 $4.115614890e-01, v12;
	v37 =	vmul.f32 $1.441592100e+00, v12;
	s29 =	spop (v2sf)  }
0x270: {  	v12 =	vmul.f32 v12, v12;
	v4 =	vadd.f32 v13, v4;
	v16 =	vadd.f32 $-1.898324490e-01, v35;
	s1 =	ssub.f32 s0, s29  }
0x271: {  	v38, _, _ =	vpop (xrf2);
	v9 =	vnsel @p0 vm2, $0x0, v9;
	v15 =	vadd.f32 $-7.072534560e-01, v36;
	v13 =	vadd.f32 $1.439093010e-05, v37;
	s30 =	spop (v2sf)  }
0x272: {  	vm14 =	vlt.s32 v3, v0;
	(v2sf) =	vpush v38, $0xF;
	v9 =	vadd.f32 @p0 v9, v11;
	s0 =	ssub.f32 s1, s30  }
0x273: {  	v4 =	vmax.f32 v4, $0.0e+00;
	v16 =	vmul.f32 v16, v12;
	v8 =	vsub.f32 s1, v8  }
0x274: {  	v34 =	vadd.s32 $0xFFFFFF81, v33;
	v4 =	vadd.f32 $9.999999960e-13, v4;
	v42 =	vsub.f32 s0, v38  }
0x275: {  	v39 =	vcvt.s32.f32 v34;
	v40 =	vadd.f32 v16, v15;
	v7 =	vadd.f32 v8, v7  }
0x276: {  	v41 =	vand.u32 $0x7FFFFF, v4;
	v4 =	vshrl.u32 v4, $0x17;
	v6 =	vadd.f32 v42, v6  }
0x277: {  	v15 =	vor.u32 $0x3F800000, v41;
	v43 =	vmul.f32 v40, v12;
	v7 =	vmax.f32 v7, $0.0e+00  }
0x278: {  	v44 =	vadd.f32 $-1.000000000e+00, v15;
	v7 =	vadd.f32 $9.999999960e-13, v7;
	v6 =	vmax.f32 v6, $0.0e+00  }
0x279: {  	v4 =	vadd.s32 $0xFFFFFF81, v4;
	v8 =	vadd.f32 v43, v13;
	v6 =	vadd.f32 $9.999999960e-13, v6  }
0x27a: {  	v45 =	vmul.f32 $4.392862690e-02, v44;
	v47 =	vshrl.u32 v7, $0x17;
	v7 =	vand.u32 $0x7FFFFF, v7  }
0x27b: {  	v15 =	vmul.f32 $1.441592100e+00, v44;
	v7 =	vor.u32 $0x3F800000, v7;
	v48 =	vand.u32 $0x7FFFFF, v6  }
0x27c: {  	v12 =	vmul.f32 $4.115614890e-01, v44;
	v7 =	vadd.f32 $-1.000000000e+00, v7;
	v18 =	vor.u32 $0x3F800000, v48  }
0x27d: {  	v46 =	vmul.f32 v44, v44;
	v14 =	vadd.f32 $-1.898324490e-01, v45;
	v49 =	vadd.f32 $-1.000000000e+00, v18  }
0x27e: {  	v8 =	vadd.f32 v39, v8;
	v12 =	vadd.f32 $-7.072534560e-01, v12;
	v50 =	vmul.f32 $4.392862690e-02, v7  }
0x27f: {  	v15 =	vadd.f32 $1.439093010e-05, v15;
	v14 =	vmul.f32 v14, v46;
	v52 =	vmul.f32 $4.392862690e-02, v49  }
0x280: {  	v51 =	vmul.f32 v7, v7;
	v53 =	vmul.f32 $4.115614890e-01, v7;
	v54 =	vadd.f32 $-1.898324490e-01, v50  }
0x281: {  	v55 =	vmul.f32 v49, v49;
	v56 =	vmul.f32 $4.115614890e-01, v49;
	v19 =	vadd.f32 $-1.898324490e-01, v52  }
0x282: {  	v4 =	vcvt.s32.f32 v4;
	v12 =	vadd.f32 v14, v12;
	v20 =	vadd.f32 $-7.072534560e-01, v53  }
0x283: {  	v14 =	vmul.f32 v54, v51;
	v21 =	vadd.f32 $-7.072534560e-01, v56;
	v19 =	vmul.f32 v19, v55  }
0x284: {  	v57 =	vadd.s32 $0xFFFFFF81, v47;
	v7 =	vmul.f32 $1.441592100e+00, v7;
	v12 =	vmul.f32 v12, v46  }
0x285: {  	v13 =	vmul.f32 $1.441592100e+00, v49;
	v14 =	vadd.f32 v14, v20;
	v58 =	vadd.f32 v19, v21  }
0x286: {  	v6 =	vshrl.u32 v6, $0x17;
	v7 =	vadd.f32 $1.439093010e-05, v7;
	v12 =	vadd.f32 v12, v15  }
0x287: {  	v13 =	vadd.f32 $1.439093010e-05, v13;
	v11 =	vmul.f32 v14, v51;
	v59 =	vmul.f32 v58, v55  }
0x288: {  	v60 =	vcvt.s32.f32 v57;
	v6 =	vadd.s32 $0xFFFFFF81, v6;
	v4 =	vadd.f32 v4, v12  }
0x289: {  	v6 =	vcvt.s32.f32 v6;
	v7 =	vadd.f32 v11, v7;
	v61 =	vadd.f32 v59, v13  }
0x28a: {  	vm13 =	vlt.s32 v2, v0;
	v5 =	vadd.f32 @p0 v17, v5;
	v8 =	vmul.f32 $6.931471820e-01, v8  }
0x28b: {  	v4 =	vmul.f32 $6.931471820e-01, v4;
	v2 =	vadd.f32 v60, v7;
	v6 =	vadd.f32 v6, v61  }
.Ltmp18:
0x28c: {  	v5 =	vpsel p0, v5, v1;
	v1 =	vpsel p0, v9, v1;
	v62 =	vnsel vm13, $0x0, v8;
	(pc) =	sbr.rel .LBB2_13-.Ltmp18, $4  }
0x28d: {  	v3 =	vnsel vm14, $0x0, v4;
	v2 =	vmul.f32 $6.931471820e-01, v2;
	v63 =	vmul.f32 $6.931471820e-01, v6  }
0x28e: {  	vm15 =	vlt.s32 v10, v0;
	v5 =	vadd.f32 v62, v5;
	v3 =	vadd.f32 v3, v1  }
0x28f: {  	s31 =	spop (v2sf);
	v1 =	vnsel vm0, $0x0, v2;
	v2 =	vnsel vm15, $0x0, v63  }
0x290: {  	s0 =	ssub.f32 s0, s31;
	v1 =	vadd.f32 v1, v5;
	v2 =	vadd.f32 v2, v3  }
.LBB2_12:
0x291: {  	v2 =	vimm.f32 $0.0e+00  }
.LBB2_13:
.Ltmp19:
0x292: {  	(pc) =	sbr.rel @p1 .LBB2_15-.Ltmp19, $1  }
0x293: {  	_ =	sdelay $0x3  }
0x294: {  	s1 =	sshll.u32 s4, $0x5  }
0x295: {  	v3 =	vld [tilespmem:s1+$0x1000];
	_ =	sdelay $0x6  }
0x296: {  	s2 =	simm.s32 $0x2000  }
0x297: {  	v3 =	vld.idx.msk [tilespmem:v3+s2+$0x0], $0xffff;
	_ =	sdelay $0x4  }
0x298: {  	(xrf2) =	vadd.scan.msk.f32 $0xffff, v3;
	_ =	sdelay $0x4  }
0x299: {  	v4 =	vld [tilespmem:s1+$0x1010];
	_ =	sdelay $0x4  }
0x29a: {  	v5, _, _ =	vpop (xrf2)  }
0x29b: {  	(v2sf) =	vpush v5, $0xF;
	_ =	sdelay $0x1  }
0x29c: {  	v4 =	vld.idx.msk [tilespmem:v4+s2+$0x0], $0xffff;
	_ =	sdelay $0x4  }
0x29d: {  	(xrf2) =	vadd.scan.msk.f32 $0xffff, v4;
	_ =	sdelay $0x7  }
0x29e: {  	s30 =	spop (v2sf)  }
0x29f: {  	s2 =	ssub.f32 s0, s30  }
0x2a0: {  	v5 =	vsub.f32 s0, v5;
	v6, _, _ =	vpop (xrf2)  }
0x2a1: {  	v6 =	vsub.f32 s2, v6  }
0x2a2: {  	v3 =	vadd.f32 v5, v3  }
0x2a3: {  	v4 =	vadd.f32 v6, v4  }
0x2a4: {  	v3 =	vmax.f32 v3, $0.0e+00  }
0x2a5: {  	v3 =	vadd.f32 $9.999999960e-13, v3;
	v4 =	vmax.f32 v4, $0.0e+00  }
0x2a6: {  	v4 =	vadd.f32 $9.999999960e-13, v4  }
0x2a7: {  	v60 =	vand.u32 $0x7FFFFF, v3  }
0x2a8: {  	v6 =	vor.u32 $0x3F800000, v60;
	v59 =	vand.u32 $0x7FFFFF, v4  }
0x2a9: {  	v6 =	vadd.f32 $-1.000000000e+00, v6;
	v5 =	vor.u32 $0x3F800000, v59  }
0x2aa: {  	v5 =	vadd.f32 $-1.000000000e+00, v5  }
0x2ab: {  	v8 =	vmul.f32 $4.392862690e-02, v6  }
0x2ac: {  	v7 =	vmul.f32 $4.392862690e-02, v5  }
0x2ad: {  	v11 =	vmul.f32 v6, v6;
	v12 =	vmul.f32 $4.115614890e-01, v6;
	v8 =	vadd.f32 $-1.898324490e-01, v8  }
0x2ae: {  	v9 =	vmul.f32 v5, v5;
	v10 =	vmul.f32 $4.115614890e-01, v5;
	v7 =	vadd.f32 $-1.898324490e-01, v7  }
0x2af: {  	v12 =	vadd.f32 $-7.072534560e-01, v12  }
0x2b0: {  	v8 =	vmul.f32 v8, v11;
	v10 =	vadd.f32 $-7.072534560e-01, v10;
	v7 =	vmul.f32 v7, v9  }
0x2b1: {  	v3 =	vshrl.u32 v3, $0x17;
	v6 =	vmul.f32 $1.441592100e+00, v6  }
0x2b2: {  	v5 =	vmul.f32 $1.441592100e+00, v5;
	v8 =	vadd.f32 v8, v12;
	v7 =	vadd.f32 v7, v10  }
0x2b3: {  	v3 =	vadd.s32 $0xFFFFFF81, v3;
	v4 =	vshrl.u32 v4, $0x17;
	v6 =	vadd.f32 $1.439093010e-05, v6  }
0x2b4: {  	v5 =	vadd.f32 $1.439093010e-05, v5;
	v8 =	vmul.f32 v8, v11;
	v7 =	vmul.f32 v7, v9  }
0x2b5: {  	v3 =	vcvt.s32.f32 v3;
	v4 =	vadd.s32 $0xFFFFFF81, v4  }
0x2b6: {  	v4 =	vcvt.s32.f32 v4;
	v6 =	vadd.f32 v8, v6;
	v5 =	vadd.f32 v7, v5;
	_ =	sdelay $0x1  }
0x2b7: {  	v61 =	vlaneseq.u32;
	v3 =	vadd.f32 v3, v6;
	v4 =	vadd.f32 v4, v5  }
0x2b8: {  	s31 =	sor.u32 $0x10, s1;
	v63 =	vor.u32 s1, v61  }
0x2b9: {  	v62 =	vor.u32 s31, v61;
	v3 =	vmul.f32 $6.931471820e-01, v3;
	v4 =	vmul.f32 $6.931471820e-01, v4  }
0x2ba: {  	vm1 =	vlt.s32 v63, v0;
	vm0 =	vlt.s32 v62, v0  }
0x2bb: {  	v3 =	vnsel vm1, $0x0, v3;
	v0 =	vnsel vm0, $0x0, v4  }
0x2bc: {  	v1 =	vadd.f32 v3, v1;
	v2 =	vadd.f32 v0, v2  }
.LBB2_15:
0x2bd: {  	_ = 	snop  }
0x2be: {  	v0 =	vadd.f32 v2, v1;
	_ =	sdelay $0x1  }
0x2bf: {  	(xrf2) =	vadd.scan.msk.f32 $0xffff, v0;
	_ =	sdelay $0x9  }
0x2c0: {  	v0, _, _ =	vpop (xrf2)  }
0x2c1: {  	(v2sf) =	vpush v0, $0xF;
	_ =	sdelay $0xe  }
0x2c2: {  	s0 =	spop (v2sf)  }
0x2c3: {  	s0 =	ssub.f32 s0, s7;
	_ =	sdelay $0x1  }
0x2c4: {  	vm0 =	vcmask $0x300;
	v63 =	vmov s0  }
0x2c5: {  	v0 =	vnsel vm0, $0x0, v63  }
0x2c6: {  	s30 =	simm.s32 $0x5580;
	s31 =	simm.s32 $0x2;
	[tilespmem:$0x5580] =	vst v0  }
0x2c7: {  	[spmem:s6] =	stream.linear.scatter [tilespmem:s30], [sflag:$0x2], $0x10, $0x38;
	[tilespmem:$0x5720] =	vst v63  }
0x2c8: {  	_ =	swait.ge [sflag:s31], $0x10  }
0x2c9: {  	[sflag:s31] =	ssyncset.done $0x0  }
0x2ca: {  	[sflag:s31] =	ssyncadd.s32 $0xFFFFFFF0  }
0x2cb: {  	p0 =	sne.s32 s15, $0x0;
	[bflag:$0x0] =	sbarrier.arrive $0xFFFF  }
0x2cc: {  	_ =	sfence.sel @p0 $0x180000  }
0x2cd: {  	[bflag:$0x0] =	sbarrier.arrive @p0 $0xFFFF  }
0x2ce: {  	_ =	strace @p0 $0x90000047  }
0x2cf: {  	s0 =	simm.s32 @!p0 $0x5600;
	[bflag:$0x2] =	sbarrier.arrive @p0 $0xFFFF  }
0x2d0: {  	[tilespmem:s0], [sflag:$0x2] =	stream.linear.gather @!p0 [spmem:s14], $0x100, $0x38;
	[tilespmem:$0x5720] =	vst v63  }
0x2d1: {  	s0 =	simm.s32 @!p0 $0x2  }
0x2d2: {  	_ =	swait.ge @!p0 [sflag:s0], $0x100  }
0x2d3: {  	[sflag:s0] =	ssyncset.done @!p0 $0x0  }
0x2d4: {  	[sflag:s0] =	ssyncadd.s32 @!p0 $0xFFFFFF00  }
0x2d5: {  	v0 =	vld @!p0 [tilespmem:$0x5600];
	_ =	sdelay $0x1  }
0x2d6: {  	v1 =	vld @!p0 [tilespmem:$0x5610];
	_ =	sdelay $0x1  }
0x2d7: {  	v2 =	vld @!p0 [tilespmem:$0x5620]  }
0x2d8: {  	v0 =	vadd.f32 @!p0 $0.0e+00, v0  }
0x2d9: {  	v3 =	vld @!p0 [tilespmem:$0x5630]  }
0x2da: {  	v0 =	vadd.f32 @!p0 v1, v0  }
0x2db: {  	v1 =	vld @!p0 [tilespmem:$0x5640]  }
0x2dc: {  	v0 =	vadd.f32 @!p0 v2, v0  }
0x2dd: {  	v2 =	vld @!p0 [tilespmem:$0x5650]  }
0x2de: {  	v0 =	vadd.f32 @!p0 v3, v0  }
0x2df: {  	v3 =	vld @!p0 [tilespmem:$0x5660]  }
0x2e0: {  	v0 =	vadd.f32 @!p0 v1, v0  }
0x2e1: {  	v1 =	vld @!p0 [tilespmem:$0x5670]  }
0x2e2: {  	v0 =	vadd.f32 @!p0 v2, v0  }
0x2e3: {  	v2 =	vld @!p0 [tilespmem:$0x5680]  }
0x2e4: {  	v0 =	vadd.f32 @!p0 v3, v0  }
0x2e5: {  	v3 =	vld @!p0 [tilespmem:$0x5690]  }
0x2e6: {  	v0 =	vadd.f32 @!p0 v1, v0  }
0x2e7: {  	v1 =	vld @!p0 [tilespmem:$0x56A0]  }
0x2e8: {  	v0 =	vadd.f32 @!p0 v2, v0  }
0x2e9: {  	v2 =	vld @!p0 [tilespmem:$0x56B0]  }
0x2ea: {  	v0 =	vadd.f32 @!p0 v3, v0  }
0x2eb: {  	v3 =	vld @!p0 [tilespmem:$0x56C0]  }
0x2ec: {  	v0 =	vadd.f32 @!p0 v1, v0  }
0x2ed: {  	v1 =	vld @!p0 [tilespmem:$0x56D0]  }
0x2ee: {  	v0 =	vadd.f32 @!p0 v2, v0  }
0x2ef: {  	v2 =	vld @!p0 [tilespmem:$0x56E0]  }
0x2f0: {  	v0 =	vadd.f32 @!p0 v3, v0  }
0x2f1: {  	v3 =	vld @!p0 [tilespmem:$0x56F0]  }
0x2f2: {  	v0 =	vadd.f32 @!p0 v1, v0;
	_ =	sdelay $0x1  }
0x2f3: {  	v0 =	vadd.f32 @!p0 v2, v0;
	_ =	sdelay $0x1  }
0x2f4: {  	v0 =	vadd.f32 @!p0 v3, v0;
	_ =	sdelay $0x1  }
0x2f5: {  	(xrf2) =	vadd.scan.msk.f32 @!p0 $0xffff, v0;
	_ =	sdelay $0x9  }
0x2f6: {  	v0, _, _ =	vpop @!p0 (xrf2)  }
0x2f7: {  	(v2sf) =	vpush @!p0 v0, $0xF;
	_ =	sdelay $0xe  }
0x2f8: {  	s1 =	spop @!p0 (v2sf)  }
0x2f9: {  	s1 =	smul.f32 @!p0 $6.250000000e-02, s1;
	_ =	sdelay $0x1  }
0x2fa: {  	vm0 =	vcmask @!p0 $0x300;
	v0 =	vmov @!p0 s1  }
0x2fb: {  	v0 =	vnsel @!p0 vm0, $0x0, v0  }
0x2fc: {  	s2 =	simm.s32 @!p0 $0x5580;
	s1 =	simm.s32 @!p0 $0x0;
	[tilespmem:$0x5580] =	vst @!p0 v0  }
0x2fd: {  	[hbm4b:s13+s1] =	stream.linear.scatter @!p0 [tilespmem:s2], [sflag:$0x2], $0x80, $0x38;
	[tilespmem:$0x5720] =	vst v63  }
0x2fe: {  	_ =	swait.ge @!p0 [sflag:s0], $0x80  }
0x2ff: {  	[sflag:s0] =	ssyncset.done @!p0 $0x0  }
0x300: {  	[sflag:s0] =	ssyncadd.s32 @!p0 $0xFFFFFF80  }
0x301: {  	_ =	sfence.sel @!p0 $0x180000  }
0x302: {  	[bflag:$0x0] =	sbarrier.arrive @!p0 $0xFFFF  }
0x303: {  	_ =	strace @!p0 $0x90000047  }
0x304: {  	s0 =	sadd.s32 @!p0 $0x100000, s17;
	[bflag:$0x2] =	sbarrier.arrive @!p0 $0xFFFF  }
0x305: {  	[sflag:s0] =	ssyncadd.tile.s32 @!p0 $0x1;
	_ =	shalt  }
.LBB2_17:
.Ltmp20:
0x306: {  	(pc) =	sbr.rel .LBB2_30-.Ltmp20, $3  }
0x307: {  	_ =	sdelay $0x1  }
0x308: {  	s26 =	simm.f32 $0.0e+00;
	s14 =	simm.s32 $0x3020  }
0x309: {  	v7 =	vmov v44;
	s15 =	simm.s32 $0x4020;
	s0 =	simm.s32 $0x20;
	s6 =	simm.s32 $0x2020  }
.LBB2_32:
.Ltmp21:
0x30a: {  	(pc) =	sbr.rel .LBB2_37-.Ltmp21, $2  }
0x30b: {  	_ =	sdelay $0x2  }
0x30c: {  	v12 =	vimm.f32 $0.0e+00;
	v11 =	vimm.f32 $0.0e+00  }
.LBB2_19:
.Ltmp22:
0x30d: {  	(pc) =	sbr.rel .LBB2_30-.Ltmp22, $3  }
0x30e: {  	_ =	sdelay $0x1  }
0x30f: {  	s26 =	simm.f32 $0.0e+00  }
0x310: {  	v15 =	vmov v8;
	s11 =	simm.s32 $0x20;
	s24 =	simm.s32 $0x2020;
	s6 =	simm.s32 $0x2060  }
.LBB2_34:
.Ltmp23:
0x311: {  	(pc) =	sbr.rel .LBB2_37-.Ltmp23, $2  }
0x312: {  	_ =	sdelay $0x2  }
0x313: {  	v21 =	vmovc v3;
	v12 =	vimm.f32 $0.0e+00;
	v3 =	vmovc v9;
	v11 =	vimm.f32 $0.0e+00;
	s2 =	simm.s32 $0x40;
	v10 =	vmov v5  }
.LBB2_21:
.Ltmp24:
0x314: {  	(pc) =	sbr.rel .LBB2_30-.Ltmp24, $4  }
0x315: {  	s26 =	simm.f32 $0.0e+00;
	s11 =	simm.s32 $0x60;
	s3 =	simm.s32 $0x3020  }
0x316: {  	s1 =	simm.s32 $0x3060;
	s14 =	simm.s32 $0x30A0;
	s9 =	simm.s32 $0x4020  }
0x317: {  	v52 =	vmovc v44;
	v44 =	vmovc v7;
	v50 =	vmov v10;
	v51 =	vmov v18;
	v7 =	vmov v22;
	s2 =	simm.s32 $0x4060;
	s24 =	simm.s32 $0x2060;
	s15 =	simm.s32 $0x40A0  }
0x318: {  	v53 =	vmovc v8;
	v15 =	vmovc v21;
	v10 =	vmov v13;
	v18 =	vmov v17;
	s7 =	simm.s32 $0x2020;
	s0 =	simm.s32 $0xA0;
	s6 =	simm.s32 $0x20A0;
	v23 =	vmov v11  }
.LBB2_23:
.Ltmp25:
0x319: {  	s26 =	simm.f32 $0.0e+00;
	(pc) =	sbr.rel .LBB2_30-.Ltmp25, $4  }
0x31a: {  	s11 =	simm.s32 $0xA0;
	s3 =	simm.s32 $0x3060;
	s1 =	simm.s32 $0x30A0;
	v10 =	vmov v24;
	v52 =	vmov v7  }
0x31b: {  	s14 =	simm.s32 $0x30E0;
	s9 =	simm.s32 $0x4060;
	s2 =	simm.s32 $0x40A0;
	v44 =	vmovc v22;
	v18 =	vmovc v25;
	v53 =	vmov v21;
	v15 =	vmov v20;
	v50 =	vmov v13  }
0x31c: {  	s24 =	simm.s32 $0x20A0;
	s15 =	simm.s32 $0x40E0;
	s19 =	simm.s32 $0x2020;
	v51 =	vmovc v17;
	v7 =	vmovc v46;
	vm7 =	vmmov vm3;
	v43 =	vmov v9;
	v48 =	vmov v8  }
0x31d: {  	s7 =	simm.s32 $0x2060;
	s18 =	simm.s32 $0x60;
	s0 =	simm.s32 $0xE0;
	v42 =	vmovc v16;
	v3 =	vmovc v14;
	v17 =	vmov v4;
	v37 =	vmov v33;
	v35 =	vmov v12  }
.LBB2_25:
.Ltmp26:
0x31e: {  	v50 =	vmovc v24;
	v28 =	vmov v31;
	v45 =	vmov v40;
	vm10 =	vmmov vm9;
	(pc) =	sbr.rel .LBB2_30-.Ltmp26, $4  }
0x31f: {  	s26 =	simm.f32 $0.0e+00;
	v52 =	vmovc v22;
	v51 =	vmovc v25;
	v44 =	vmov v46;
	v39 =	vmov v30;
	vm7 =	vmmov vm5  }
0x320: {  	s11 =	simm.s32 $0xE0;
	s3 =	simm.s32 $0x30A0;
	s9 =	simm.s32 $0x40A0;
	v49 =	vmovc v33;
	v47 =	vmovc v9;
	v43 =	vmov v27;
	vm6 =	vmmov vm8;
	v48 =	vmov v21  }
0x321: {  	s24 =	simm.s32 $0x20E0;
	s19 =	simm.s32 $0x2060;
	s28 =	smov.u32 s25;
	v53 =	vmovc v20;
	v41 =	vmovc v29;
	v42 =	vmov v32;
	v23 =	vmov v55;
	v2 =	vmov v14  }
0x322: {  	s7 =	simm.s32 $0x20A0;
	s18 =	simm.s32 $0xA0;
	s6 =	simm.s32 $0x2120;
	vm2 =	vmmov vm4;
	v3 =	vmovc v11;
	v17 =	vmovc v13;
	v37 =	vmov v36;
	v35 =	vmov v26  }
.LBB2_38:
.Ltmp27:
0x323: {  	s26 =	simm.f32 $0.0e+00;
	(pc) =	sbr.rel .LBB2_30-.Ltmp27, $4  }
0x324: {  	s11 =	simm.s32 $0x120;
	s3 =	simm.s32 $0x30E0;
	s1 =	simm.s32 $0x3120  }
0x325: {  	s14 =	simm.s32 $0x3160;
	s9 =	simm.s32 $0x40E0;
	v50 =	vmov v10;
	s2 =	simm.s32 $0x4120  }
0x326: {  	v51 =	vmovc v18;
	v44 =	vmovc v7;
	s15 =	simm.s32 $0x4160;
	s19 =	simm.s32 $0x20A0;
	v53 =	vmov v15;
	v10 =	vmov v52;
	v52 =	vmov v46;
	s7 =	simm.s32 $0x20E0  }
0x327: {  	v7 =	vmovc v55;
	v18 =	vmovc v56;
	v47 =	vmov v27;
	v48 =	vmov v20;
	s0 =	simm.s32 $0x160;
	s6 =	simm.s32 $0x2160;
	v15 =	vmov v54;
	s17 =	rddreg [dreg:$0x6]  }
.Lfunc_end2:
_tile_overlayer_lowered:
.L_overlay_start_2:
0x328: {  	(tag) =	ssettag $0x2  }
0x329: {  	s0 =	rddreg [dreg:$0x0];
	s2 =	stileid.u32  }
0x32a: {  	s1 =	rddreg [dreg:$0x1];
	p0 =	sne.s32 s2, $0x0  }
0x32b: {  	s3 =	rddreg [dreg:$0x2];
	[bflag:$0x3] =	sbarrier.arrive $0xFFFF;
	s2 =	simm.s32 @!p0 $0x1C02  }
0x32c: {  	[timem:s3], [sflag:s2] =	dma.local @!p0 [hbm:s0], s1  }
0x32d: {  	s0 =	simm.s32 @!p0 $0x2  }
0x32e: {  	_ =	swait.ge @!p0 [sflag:s0], s1  }
0x32f: {  	s1 =	ssub.s32 @!p0 $0x0, s1;
	[sflag:s0] =	ssyncset.done @!p0 $0x0  }
0x330: {  	[sflag:s0] =	ssyncadd.s32 @!p0 s1  }
0x331: {  	[bflag:$0x3] =	sbarrier.arrive $0xFFFF  }
0x332: {  	_ =	shalt  }

</sc_bundles>
